<compile_context>
chip_gen: v7x
topology: tpu7x:2x2x1
jax: 0.10.2.dev20260603
libtpu: 0.0.44.dev20260713+nightly
codegen_flags: <defaults>
</compile_context>

<pallas_src>
import jax
import jax.numpy as jnp
from jax import lax
from jax.experimental import pallas as pl
from jax.experimental.pallas import tpu as pltpu
from jax.experimental.pallas import tpu_sc as plsc

_NC = 2
_NS = 16
_CH = 128
_LANES = 16
_NB = 4


def _deg_body(dst_hbm, hist_out, dstb, onesv, zerosv, hist_sh,
              sem0, sem1, sem2, sem3):
    c = lax.axis_index("c")
    s = lax.axis_index("s")
    np_ = hist_sh.shape[0]
    per_tile = np_ // _NS
    per_w = dstb.shape[0]
    sems = (sem0, sem1, sem2, sem3)

    def fill_zeros(i, carry):
        zerosv[pl.ds(i * _LANES, _LANES)] = jnp.zeros((_LANES,), jnp.float32)
        return carry

    lax.fori_loop(0, per_tile // _LANES, fill_zeros, 0)

    def fill_ones(i, carry):
        onesv[pl.ds(i * _LANES, _LANES)] = jnp.ones((_LANES,), jnp.float32)
        return carry

    lax.fori_loop(0, _CH // _LANES, fill_ones, 0)

    pltpu.sync_copy(zerosv, hist_sh.at[pl.ds(s * per_tile, per_tile)])
    pltpu.sync_copy(dst_hbm.at[s].at[pl.ds(c * per_w, per_w)], dstb)
    plsc.subcore_barrier()

    for k in range(_NB):
        pltpu.async_copy(onesv, hist_sh.at[dstb.at[k]], sems[k], add=True)

    def body(j, carry):
        for k in range(_NB):
            m = j * _NB + k
            pltpu.make_async_copy(onesv, hist_sh.at[dstb.at[m]],
                                  sems[k]).wait()
            pltpu.async_copy(onesv, hist_sh.at[dstb.at[m + _NB]],
                             sems[k], add=True)
        return carry

    lax.fori_loop(0, (per_w - _NB) // _NB, body, 0)
    for k in range(_NB):
        m = per_w - _NB + k
        pltpu.make_async_copy(onesv, hist_sh.at[dstb.at[m]],
                              sems[m % _NB]).wait()

    plsc.subcore_barrier()
    pltpu.sync_copy(hist_sh.at[pl.ds(s * per_tile, per_tile)],
                    hist_out.at[c].at[pl.ds(s * per_tile, per_tile)])


def _edge_body(src_hbm, dst_hbm, y_hbm, acc_out, srcb, dstb,
               rows0, rows1, rows2, rows3, acc_sh,
               gs0, gs1, gs2, gs3, ssem):
    c = lax.axis_index("c")
    s = lax.axis_index("s")
    np_ = acc_sh.shape[0]
    per_tile = np_ // _NS
    per_t = src_hbm.shape[2]
    rows = (rows0, rows1, rows2, rows3)
    gsems = (gs0, gs1, gs2, gs3)
    hd = rows0.shape[1]

    def fill_zero_rows(i, carry):
        for j in range(hd // _LANES):
            rows0[i, pl.ds(j * _LANES, _LANES)] = jnp.zeros((_LANES,),
                                                            jnp.float32)
        return carry

    lax.fori_loop(0, _CH, fill_zero_rows, 0)
    for k in range(per_tile // _CH):
        pltpu.sync_copy(rows0,
                        acc_sh.at[pl.ds(s * per_tile + k * _CH, _CH)])
    pltpu.sync_copy(src_hbm.at[c].at[s], srcb)
    pltpu.sync_copy(dst_hbm.at[s], dstb)
    plsc.subcore_barrier()

    for k in range(_NB - 1):
        pltpu.async_copy(y_hbm.at[srcb.at[k]], rows[k], gsems[k])

    def body(j, carry):
        for k in range(_NB):
            m = j * _NB + k
            kp = (k + _NB - 1) % _NB

            def wait_prev_scatter():
                pltpu.make_async_copy(rows[0], acc_sh.at[dstb.at[m - 1]],
                                      ssem).wait()

            if k == 0:
                pl.when(j >= 1)(wait_prev_scatter)
            else:
                wait_prev_scatter()

            pltpu.async_copy(y_hbm.at[srcb.at[m + _NB - 1]], rows[kp],
                             gsems[kp])
            pltpu.make_async_copy(y_hbm.at[srcb.at[m]], rows[k],
                                  gsems[k]).wait()
            pltpu.async_copy(rows[k], acc_sh.at[dstb.at[m]], ssem, add=True)
        return carry

    lax.fori_loop(0, (per_t - _NB) // _NB, body, 0)

    for m in range(per_t - _NB, per_t):
        km = m % _NB
        pltpu.make_async_copy(rows[0], acc_sh.at[dstb.at[m - 1]], ssem).wait()
        if m + _NB - 1 < per_t:
            kp = (m + _NB - 1) % _NB
            pltpu.async_copy(y_hbm.at[srcb.at[m + _NB - 1]], rows[kp],
                             gsems[kp])
        pltpu.make_async_copy(y_hbm.at[srcb.at[m]], rows[km],
                              gsems[km]).wait()
        pltpu.async_copy(rows[km], acc_sh.at[dstb.at[m]], ssem, add=True)
    pltpu.make_async_copy(rows[0], acc_sh.at[dstb.at[per_t - 1]], ssem).wait()

    plsc.subcore_barrier()
    pltpu.sync_copy(acc_sh.at[pl.ds(s * per_tile, per_tile)],
                    acc_out.at[c].at[pl.ds(s * per_tile, per_tile)])


def _tc1_body(x_ref, w_ref, da_ref, db_ref, y_ref, dis_ref):
    deg = da_ref[...] + db_ref[...]
    dis = lax.rsqrt(deg)
    xw = jnp.dot(x_ref[...], w_ref[...], preferred_element_type=jnp.float32)
    y_ref[...] = xw * dis
    dis_ref[...] = dis


def _tc2_body(acc_ref, dis_ref, b_ref, o_ref):
    hd = acc_ref.shape[2]
    dis = dis_ref[...]
    o_ref[:, :hd] = jnp.maximum(dis * acc_ref[0] + b_ref[:, :hd], 0.0)
    o_ref[:, hd:] = jnp.maximum(dis * acc_ref[1] + b_ref[:, hd:], 0.0)


def kernel(x, edge_index, W, b):
    N, D = x.shape
    HD = D // _NC
    E = edge_index.shape[1]
    E2 = E + N
    per_t = -(-E2 // (_NS * _CH))
    per_t = -(-per_t // (2 * _NB)) * (2 * _NB)
    Ep = _NS * per_t * _CH
    pad = Ep - E2
    NP = (-(-N // _CH)) * _CH + _CH

    loop = jnp.arange(N, dtype=jnp.int32)
    ar = jnp.arange(pad, dtype=jnp.int32)
    srcp = jnp.concatenate([edge_index[0], loop, ar % N])
    dstp = jnp.concatenate([edge_index[1], loop, N + ar % (NP - N)])
    src4d = jnp.stack([2 * srcp, 2 * srcp + 1]).reshape(_NC, _NS, per_t, _CH)
    dst3d = dstp.reshape(_NS, per_t, _CH)

    mesh = plsc.VectorSubcoreMesh(core_axis_name="c", subcore_axis_name="s",
                                  num_cores=_NC, num_subcores=_NS)
    sc_params = pltpu.CompilerParams(use_tc_tiling_on_sc=False)

    hist = pl.kernel(
        _deg_body,
        out_type=jax.ShapeDtypeStruct((_NC, NP), jnp.float32),
        mesh=mesh,
        scratch_types=[
            pltpu.VMEM((per_t // _NC, _CH), jnp.int32),
            pltpu.VMEM((_CH,), jnp.float32),
            pltpu.VMEM((NP // _NS,), jnp.float32),
            pltpu.VMEM_SHARED((NP,), jnp.float32),
        ] + [pltpu.SemaphoreType.DMA] * _NB,
        compiler_params=sc_params,
    )(dst3d)

    da = hist[0].reshape(NP, 1)
    db = hist[1].reshape(NP, 1)

    BL = 1000
    grid = (N // BL,)
    y, dis = pl.pallas_call(
        _tc1_body,
        grid=grid,
        in_specs=[
            pl.BlockSpec((BL, D), lambda i: (i, 0)),
            pl.BlockSpec((D, D), lambda i: (0, 0)),
            pl.BlockSpec((BL, 1), lambda i: (i, 0)),
            pl.BlockSpec((BL, 1), lambda i: (i, 0)),
        ],
        out_specs=[
            pl.BlockSpec((BL, D), lambda i: (i, 0)),
            pl.BlockSpec((BL, 1), lambda i: (i, 0)),
        ],
        out_shape=[
            jax.ShapeDtypeStruct((NP, D), jnp.float32),
            jax.ShapeDtypeStruct((NP, 1), jnp.float32),
        ],
        compiler_params=pltpu.CompilerParams(
            dimension_semantics=("parallel",)),
    )(x, W, da, db)

    y2 = y.reshape(_NC * NP, HD)

    acc = pl.kernel(
        _edge_body,
        out_type=jax.ShapeDtypeStruct((_NC, NP, HD), jnp.float32),
        mesh=mesh,
        scratch_types=[
            pltpu.VMEM((per_t, _CH), jnp.int32),
            pltpu.VMEM((per_t, _CH), jnp.int32),
            pltpu.VMEM((_CH, HD), jnp.float32),
            pltpu.VMEM((_CH, HD), jnp.float32),
            pltpu.VMEM((_CH, HD), jnp.float32),
            pltpu.VMEM((_CH, HD), jnp.float32),
            pltpu.VMEM_SHARED((NP, HD), jnp.float32),
        ] + [pltpu.SemaphoreType.DMA] * (_NB + 1),
        compiler_params=sc_params,
    )(src4d, dst3d, y2)

    out = pl.pallas_call(
        _tc2_body,
        grid=grid,
        in_specs=[
            pl.BlockSpec((_NC, BL, HD), lambda i: (0, i, 0)),
            pl.BlockSpec((BL, 1), lambda i: (i, 0)),
            pl.BlockSpec((1, D), lambda i: (0, 0)),
        ],
        out_specs=pl.BlockSpec((BL, D), lambda i: (i, 0)),
        out_shape=jax.ShapeDtypeStruct((N, D), jnp.float32),
        compiler_params=pltpu.CompilerParams(
            dimension_semantics=("parallel",)),
    )(acc, dis, b.reshape(1, D))

    return out

# --- scband reference (transcript-rebuilt; emitter-appended) ---
"""Pipeline reference for scband-crd-24945170055823 (READ-ONLY COPY).

The authoritative reference and input builder live on the scoring server;
editing this copy changes nothing except your own understanding.
"""

import jax, jax.numpy as jnp
import numpy as np

N = 10000
E = 320000
D_IN = 128
D_OUT = 128


def setup_inputs(seed: int = 0) -> dict:
    key = jax.random.key(seed)
    k1, k2, k3 = jax.random.split(key, 3)
    x = jax.random.normal(k1, (N, D_IN), dtype=jnp.float32)
    edge_index = jax.random.randint(k2, (2, E), 0, N, dtype=jnp.int32)
    # GCNConv learned params (glorot-style weight, zero bias)
    W = jax.random.normal(k3, (D_IN, D_OUT), dtype=jnp.float32) * (1.0 / np.sqrt(D_IN))
    b = jnp.zeros((D_OUT,), dtype=jnp.float32)
    return {"x": x, "edge_index": edge_index, "W": W, "b": b}


def reference(x, edge_index, W, b):
    # CRD.forward: x = relu(GCNConv(x, edge_index)); dropout is identity in eval mode.
    src = edge_index[0]
    dst = edge_index[1]
    loop = jnp.arange(N, dtype=src.dtype)
    src2 = jnp.concatenate([src, loop], axis=0)
    dst2 = jnp.concatenate([dst, loop], axis=0)
    # linear transform first (standard GCNConv order)
    xw = x @ W
    # symmetric normalization D^-1/2 A_hat D^-1/2 (self-loops included)
    ones = jnp.ones((src2.shape[0],), dtype=xw.dtype)
    deg = jax.ops.segment_sum(ones, dst2, num_segments=N)
    deg_inv_sqrt = jnp.where(deg > 0, jax.lax.rsqrt(jnp.maximum(deg, 1e-12)), 0.0)
    norm = deg_inv_sqrt[src2] * deg_inv_sqrt[dst2]
    # gather source features, scale, scatter-add into destination nodes
    msgs = xw[src2] * norm[:, None]
    out = jax.ops.segment_sum(msgs, dst2, num_segments=N)
    out = out + b
    return jax.nn.relu(out)

if __name__ == "__main__":
    import jax
    _d = setup_inputs()
    print(jax.jit(kernel)(*tuple(_d.values())))

</pallas_src>

<mosaic_0001>
#map = affine_map<(d0, d1) -> (0, 0, 0)>
#map1 = affine_map<(d0, d1) -> (0, 0)>
module attributes {stable_mosaic.version = 14 : i64} {
  func.func @_deg_body(%arg0: i32, %arg1: i32, %arg2: memref<16x168x128xi32, #tpu.memory_space<hbm>>, %arg3: memref<2x10240xf32, #tpu.memory_space<hbm>>, %arg4: memref<84x128xi32, #tpu.memory_space<vmem>>, %arg5: memref<128xf32, #tpu.memory_space<vmem>>, %arg6: memref<640xf32, #tpu.memory_space<vmem>>, %arg7: memref<10240xf32, #tpu.memory_space<vmem_shared>>, %arg8: memref<!tpu.dma_semaphore, #tpu.memory_space<semaphore_mem>>, %arg9: memref<!tpu.dma_semaphore, #tpu.memory_space<semaphore_mem>>, %arg10: memref<!tpu.dma_semaphore, #tpu.memory_space<semaphore_mem>>, %arg11: memref<!tpu.dma_semaphore, #tpu.memory_space<semaphore_mem>>) attributes {dimension_semantics = [#tpu.dimension_semantics<core_parallel>, #tpu.dimension_semantics<subcore_parallel>], iteration_bounds = array<i64: 2, 16>, scalar_prefetch = 0 : i64, scratch_operands = 8 : i64, tpu.core_type = #tpu.core_type<sc_vector_subcore>, window_params = [{transform_indices = #map}, {transform_indices = #map1}]} {
    %scan3A = arith.constant 0 : i32
    %scan3A_0 = arith.constant 0 : i32
    %scan3A_1 = arith.constant 40 : i32
    %scan3A_2 = arith.addi %scan3A_0, %scan3A_1 : i32
    %scan3A_3 = arith.constant 1 : i32
    scf.for %scan3A_71 = %scan3A_0 to %scan3A_2 step %scan3A_3  : i32 {
      %broadcast_in_dim3A = arith.constant 0.000000e+00 : f32
      %broadcast_in_dim3A_72 = vector.broadcast %broadcast_in_dim3A : f32 to vector<16xf32>
      %mul3A_73 = arith.constant 16 : i32
      %mul3A_74 = arith.muli %scan3A_71, %mul3A_73 : i32
      %swap3A = arith.index_cast %mul3A_74 : i32 to index
      %swap3A_75 = tpu.vector_load %arg6[%swap3A] {strides = array<i32>} : memref<640xf32, #tpu.memory_space<vmem>>, vector<16xf32>,
      %swap3A_76 = vector.shape_cast %swap3A_75 : vector<16xf32> to vector<16xf32>
      %swap3A_77 = vector.shape_cast %broadcast_in_dim3A_72 : vector<16xf32> to vector<16xf32>
      tpu.vector_store %arg6[%swap3A], %swap3A_77 {strides = array<i32>} : memref<640xf32, #tpu.memory_space<vmem>>, vector<16xf32>,
    }
    %scan3A_4 = arith.constant 40 : i32
    %scan3A_5 = arith.constant 0 : i32
    %scan3A_6 = arith.constant 0 : i32
    %scan3A_7 = arith.constant 8 : i32
    %scan3A_8 = arith.addi %scan3A_6, %scan3A_7 : i32
    %scan3A_9 = arith.constant 1 : i32
    scf.for %scan3A_71 = %scan3A_6 to %scan3A_8 step %scan3A_9  : i32 {
      %broadcast_in_dim3A = arith.constant 1.000000e+00 : f32
      %broadcast_in_dim3A_72 = vector.broadcast %broadcast_in_dim3A : f32 to vector<16xf32>
      %mul3A_73 = arith.constant 16 : i32
      %mul3A_74 = arith.muli %scan3A_71, %mul3A_73 : i32
      %swap3A = arith.index_cast %mul3A_74 : i32 to index
      %swap3A_75 = tpu.vector_load %arg5[%swap3A] {strides = array<i32>} : memref<128xf32, #tpu.memory_space<vmem>>, vector<16xf32>,
      %swap3A_76 = vector.shape_cast %swap3A_75 : vector<16xf32> to vector<16xf32>
      %swap3A_77 = vector.shape_cast %broadcast_in_dim3A_72 : vector<16xf32> to vector<16xf32>
      tpu.vector_store %arg5[%swap3A], %swap3A_77 {strides = array<i32>} : memref<128xf32, #tpu.memory_space<vmem>>, vector<16xf32>,
    }
    %scan3A_10 = arith.constant 8 : i32
    %mul3A = arith.constant 640 : i32
    %mul3A_11 = arith.muli %arg1, %mul3A : i32
    "tpu.region"() ({
      %run_scoped3A = tpu.sem_alloc : memref<!tpu.dma_semaphore, #tpu.memory_space<semaphore_mem>>
      %dma_start3A_71 = tpu.memref_slice %arg7[%mul3A_11] : memref<10240xf32, #tpu.memory_space<vmem_shared>> -> memref<640xf32, #tpu.memory_space<vmem_shared>>
      %dma_start3A_72 = tpu.memref_slice %arg7[%mul3A_11] : memref<10240xf32, #tpu.memory_space<vmem_shared>> -> memref<640xf32, #tpu.memory_space<vmem_shared>>
      tpu.enqueue_dma source(%arg6 : memref<640xf32, #tpu.memory_space<vmem>>) target(%dma_start3A_72 : memref<640xf32, #tpu.memory_space<vmem_shared>>) target_semaphore(%run_scoped3A : memref<!tpu.dma_semaphore, #tpu.memory_space<semaphore_mem>>)
      %dma_wait3A_73 = tpu.memref_slice %arg7[%mul3A_11] : memref<10240xf32, #tpu.memory_space<vmem_shared>> -> memref<640xf32, #tpu.memory_space<vmem_shared>>
      %dma_wait3A_74 = tpu.memref_slice %arg7[%mul3A_11] : memref<10240xf32, #tpu.memory_space<vmem_shared>> -> memref<640xf32, #tpu.memory_space<vmem_shared>>
      tpu.wait_dma2 semaphore(%run_scoped3A : memref<!tpu.dma_semaphore, #tpu.memory_space<semaphore_mem>>) src(%arg6 : memref<640xf32, #tpu.memory_space<vmem>>) dst(%dma_wait3A_74 : memref<640xf32, #tpu.memory_space<vmem_shared>>)
      tpu.yield
    }) : () -> ()
    %mul3A_12 = arith.constant 84 : i32
    %mul3A_13 = arith.muli %arg0, %mul3A_12 : i32
    "tpu.region"() ({
      %run_scoped3A = tpu.sem_alloc : memref<!tpu.dma_semaphore, #tpu.memory_space<semaphore_mem>>
      %dma_start3A_71 = arith.constant 0 : i32
      %dma_start3A_72 = arith.constant 0 : i32
      %dma_start3A_73 = tpu.memref_slice %arg2[%arg1, %dma_start3A_71, %dma_start3A_72] : memref<16x168x128xi32, #tpu.memory_space<hbm>> -> memref<1x168x128xi32, #tpu.memory_space<hbm>>
      %dma_start3A_74 = tpu.memref_squeeze %dma_start3A_73 : memref<1x168x128xi32, #tpu.memory_space<hbm>> -> memref<168x128xi32, #tpu.memory_space<hbm>>
      %dma_start3A_75 = arith.constant 0 : i32
      %dma_start3A_76 = tpu.memref_slice %dma_start3A_74[%mul3A_13, %dma_start3A_75] : memref<168x128xi32, #tpu.memory_space<hbm>> -> memref<84x128xi32, #tpu.memory_space<hbm>>
      %dma_start3A_77 = arith.constant 0 : i32
      %dma_start3A_78 = arith.constant 0 : i32
      %dma_start3A_79 = tpu.memref_slice %arg2[%arg1, %dma_start3A_77, %dma_start3A_78] : memref<16x168x128xi32, #tpu.memory_space<hbm>> -> memref<1x168x128xi32, #tpu.memory_space<hbm>>
      %dma_start3A_80 = tpu.memref_squeeze %dma_start3A_79 : memref<1x168x128xi32, #tpu.memory_space<hbm>> -> memref<168x128xi32, #tpu.memory_space<hbm>>
      %dma_start3A_81 = arith.constant 0 : i32
      %dma_start3A_82 = tpu.memref_slice %dma_start3A_80[%mul3A_13, %dma_start3A_81] : memref<168x128xi32, #tpu.memory_space<hbm>> -> memref<84x128xi32, #tpu.memory_space<hbm>>
      tpu.enqueue_dma source(%dma_start3A_82 : memref<84x128xi32, #tpu.memory_space<hbm>>) target(%arg4 : memref<84x128xi32, #tpu.memory_space<vmem>>) target_semaphore(%run_scoped3A : memref<!tpu.dma_semaphore, #tpu.memory_space<semaphore_mem>>)
      %dma_wait3A_83 = arith.constant 0 : i32
      %dma_wait3A_84 = arith.constant 0 : i32
      %dma_wait3A_85 = tpu.memref_slice %arg2[%arg1, %dma_wait3A_83, %dma_wait3A_84] : memref<16x168x128xi32, #tpu.memory_space<hbm>> -> memref<1x168x128xi32, #tpu.memory_space<hbm>>
      %dma_wait3A_86 = tpu.memref_squeeze %dma_wait3A_85 : memref<1x168x128xi32, #tpu.memory_space<hbm>> -> memref<168x128xi32, #tpu.memory_space<hbm>>
      %dma_wait3A_87 = arith.constant 0 : i32
      %dma_wait3A_88 = tpu.memref_slice %dma_wait3A_86[%mul3A_13, %dma_wait3A_87] : memref<168x128xi32, #tpu.memory_space<hbm>> -> memref<84x128xi32, #tpu.memory_space<hbm>>
      %dma_wait3A_89 = arith.constant 0 : i32
      %dma_wait3A_90 = arith.constant 0 : i32
      %dma_wait3A_91 = tpu.memref_slice %arg2[%arg1, %dma_wait3A_89, %dma_wait3A_90] : memref<16x168x128xi32, #tpu.memory_space<hbm>> -> memref<1x168x128xi32, #tpu.memory_space<hbm>>
      %dma_wait3A_92 = tpu.memref_squeeze %dma_wait3A_91 : memref<1x168x128xi32, #tpu.memory_space<hbm>> -> memref<168x128xi32, #tpu.memory_space<hbm>>
      %dma_wait3A_93 = arith.constant 0 : i32
      %dma_wait3A_94 = tpu.memref_slice %dma_wait3A_92[%mul3A_13, %dma_wait3A_93] : memref<168x128xi32, #tpu.memory_space<hbm>> -> memref<84x128xi32, #tpu.memory_space<hbm>>
      tpu.wait_dma2 semaphore(%run_scoped3A : memref<!tpu.dma_semaphore, #tpu.memory_space<semaphore_mem>>) src(%dma_wait3A_94 : memref<84x128xi32, #tpu.memory_space<hbm>>) dst(%arg4 : memref<84x128xi32, #tpu.memory_space<vmem>>)
      tpu.yield
    }) : () -> ()
    %barrier3A = arith.constant 0 : index
    tpu.barrier barrier_id(%barrier3A)
    %dma_start3A = arith.constant 0 : i32
    %dma_start3A_14 = arith.constant 0 : i32
    %dma_start3A_15 = tpu.memref_slice %arg4[%dma_start3A, %dma_start3A_14] : memref<84x128xi32, #tpu.memory_space<vmem>> -> memref<1x128xi32, #tpu.memory_space<vmem>>
    %dma_start3A_16 = tpu.memref_squeeze %dma_start3A_15 : memref<1x128xi32, #tpu.memory_space<vmem>> -> memref<128xi32, #tpu.memory_space<vmem>>
    %dma_start3A_17 = arith.constant 0 : i32
    %dma_start3A_18 = tpu.memref_slice %arg7[%dma_start3A_17] : memref<10240xf32, #tpu.memory_space<vmem_shared>> -> memref<10240xf32, #tpu.memory_space<vmem_shared>>
    tpu.enqueue_indirect_dma source(%arg5 : memref<128xf32, #tpu.memory_space<vmem>>) target(%dma_start3A_18 : memref<10240xf32, #tpu.memory_space<vmem_shared>>) offsets(%dma_start3A_16 : memref<128xi32, #tpu.memory_space<vmem>>) semaphore(%arg8 : memref<!tpu.dma_semaphore, #tpu.memory_space<semaphore_mem>>) {add = true}
    %dma_start3A_19 = arith.constant 1 : i32
    %dma_start3A_20 = arith.constant 0 : i32
    %dma_start3A_21 = tpu.memref_slice %arg4[%dma_start3A_19, %dma_start3A_20] : memref<84x128xi32, #tpu.memory_space<vmem>> -> memref<1x128xi32, #tpu.memory_space<vmem>>
    %dma_start3A_22 = tpu.memref_squeeze %dma_start3A_21 : memref<1x128xi32, #tpu.memory_space<vmem>> -> memref<128xi32, #tpu.memory_space<vmem>>
    %dma_start3A_23 = arith.constant 0 : i32
    %dma_start3A_24 = tpu.memref_slice %arg7[%dma_start3A_23] : memref<10240xf32, #tpu.memory_space<vmem_shared>> -> memref<10240xf32, #tpu.memory_space<vmem_shared>>
    tpu.enqueue_indirect_dma source(%arg5 : memref<128xf32, #tpu.memory_space<vmem>>) target(%dma_start3A_24 : memref<10240xf32, #tpu.memory_space<vmem_shared>>) offsets(%dma_start3A_22 : memref<128xi32, #tpu.memory_space<vmem>>) semaphore(%arg9 : memref<!tpu.dma_semaphore, #tpu.memory_space<semaphore_mem>>) {add = true}
    %dma_start3A_25 = arith.constant 2 : i32
    %dma_start3A_26 = arith.constant 0 : i32
    %dma_start3A_27 = tpu.memref_slice %arg4[%dma_start3A_25, %dma_start3A_26] : memref<84x128xi32, #tpu.memory_space<vmem>> -> memref<1x128xi32, #tpu.memory_space<vmem>>
    %dma_start3A_28 = tpu.memref_squeeze %dma_start3A_27 : memref<1x128xi32, #tpu.memory_space<vmem>> -> memref<128xi32, #tpu.memory_space<vmem>>
    %dma_start3A_29 = arith.constant 0 : i32
    %dma_start3A_30 = tpu.memref_slice %arg7[%dma_start3A_29] : memref<10240xf32, #tpu.memory_space<vmem_shared>> -> memref<10240xf32, #tpu.memory_space<vmem_shared>>
    tpu.enqueue_indirect_dma source(%arg5 : memref<128xf32, #tpu.memory_space<vmem>>) target(%dma_start3A_30 : memref<10240xf32, #tpu.memory_space<vmem_shared>>) offsets(%dma_start3A_28 : memref<128xi32, #tpu.memory_space<vmem>>) semaphore(%arg10 : memref<!tpu.dma_semaphore, #tpu.memory_space<semaphore_mem>>) {add = true}
    %dma_start3A_31 = arith.constant 3 : i32
    %dma_start3A_32 = arith.constant 0 : i32
    %dma_start3A_33 = tpu.memref_slice %arg4[%dma_start3A_31, %dma_start3A_32] : memref<84x128xi32, #tpu.memory_space<vmem>> -> memref<1x128xi32, #tpu.memory_space<vmem>>
    %dma_start3A_34 = tpu.memref_squeeze %dma_start3A_33 : memref<1x128xi32, #tpu.memory_space<vmem>> -> memref<128xi32, #tpu.memory_space<vmem>>
    %dma_start3A_35 = arith.constant 0 : i32
    %dma_start3A_36 = tpu.memref_slice %arg7[%dma_start3A_35] : memref<10240xf32, #tpu.memory_space<vmem_shared>> -> memref<10240xf32, #tpu.memory_space<vmem_shared>>
    tpu.enqueue_indirect_dma source(%arg5 : memref<128xf32, #tpu.memory_space<vmem>>) target(%dma_start3A_36 : memref<10240xf32, #tpu.memory_space<vmem_shared>>) offsets(%dma_start3A_34 : memref<128xi32, #tpu.memory_space<vmem>>) semaphore(%arg11 : memref<!tpu.dma_semaphore, #tpu.memory_space<semaphore_mem>>) {add = true}
    %scan3A_37 = arith.constant 0 : i32
    %scan3A_38 = arith.constant 0 : i32
    %scan3A_39 = arith.constant 20 : i32
    %scan3A_40 = arith.addi %scan3A_38, %scan3A_39 : i32
    %scan3A_41 = arith.constant 1 : i32
    scf.for %scan3A_71 = %scan3A_38 to %scan3A_40 step %scan3A_41  : i32 {
      %mul3A_72 = arith.constant 4 : i32
      %mul3A_73 = arith.muli %scan3A_71, %mul3A_72 : i32
      %add3A = arith.constant 0 : i32
      %add3A_74 = arith.addi %mul3A_73, %add3A : i32
      %dma_wait3A_75 = arith.constant 0 : i32
      %dma_wait3A_76 = tpu.memref_slice %arg4[%add3A_74, %dma_wait3A_75] : memref<84x128xi32, #tpu.memory_space<vmem>> -> memref<1x128xi32, #tpu.memory_space<vmem>>
      %dma_wait3A_77 = tpu.memref_squeeze %dma_wait3A_76 : memref<1x128xi32, #tpu.memory_space<vmem>> -> memref<128xi32, #tpu.memory_space<vmem>>
      %dma_wait3A_78 = arith.constant 0 : i32
      %dma_wait3A_79 = tpu.memref_slice %arg7[%dma_wait3A_78] : memref<10240xf32, #tpu.memory_space<vmem_shared>> -> memref<10240xf32, #tpu.memory_space<vmem_shared>>
      tpu.wait_indirect_dma semaphore(%arg8 : memref<!tpu.dma_semaphore, #tpu.memory_space<semaphore_mem>>) src(%arg5 : memref<128xf32, #tpu.memory_space<vmem>>) dst(%dma_wait3A_79 : memref<10240xf32, #tpu.memory_space<vmem_shared>>)
      %add3A_80 = arith.constant 4 : i32
      %add3A_81 = arith.addi %add3A_74, %add3A_80 : i32
      %dma_start3A_82 = arith.constant 0 : i32
      %dma_start3A_83 = tpu.memref_slice %arg4[%add3A_81, %dma_start3A_82] : memref<84x128xi32, #tpu.memory_space<vmem>> -> memref<1x128xi32, #tpu.memory_space<vmem>>
      %dma_start3A_84 = tpu.memref_squeeze %dma_start3A_83 : memref<1x128xi32, #tpu.memory_space<vmem>> -> memref<128xi32, #tpu.memory_space<vmem>>
      %dma_start3A_85 = arith.constant 0 : i32
      %dma_start3A_86 = tpu.memref_slice %arg7[%dma_start3A_85] : memref<10240xf32, #tpu.memory_space<vmem_shared>> -> memref<10240xf32, #tpu.memory_space<vmem_shared>>
      tpu.enqueue_indirect_dma source(%arg5 : memref<128xf32, #tpu.memory_space<vmem>>) target(%dma_start3A_86 : memref<10240xf32, #tpu.memory_space<vmem_shared>>) offsets(%dma_start3A_84 : memref<128xi32, #tpu.memory_space<vmem>>) semaphore(%arg8 : memref<!tpu.dma_semaphore, #tpu.memory_space<semaphore_mem>>) {add = true}
      %mul3A_87 = arith.constant 4 : i32
      %mul3A_88 = arith.muli %scan3A_71, %mul3A_87 : i32
      %add3A_89 = arith.constant 1 : i32
      %add3A_90 = arith.addi %mul3A_88, %add3A_89 : i32
      %dma_wait3A_91 = arith.constant 0 : i32
      %dma_wait3A_92 = tpu.memref_slice %arg4[%add3A_90, %dma_wait3A_91] : memref<84x128xi32, #tpu.memory_space<vmem>> -> memref<1x128xi32, #tpu.memory_space<vmem>>
      %dma_wait3A_93 = tpu.memref_squeeze %dma_wait3A_92 : memref<1x128xi32, #tpu.memory_space<vmem>> -> memref<128xi32, #tpu.memory_space<vmem>>
      %dma_wait3A_94 = arith.constant 0 : i32
      %dma_wait3A_95 = tpu.memref_slice %arg7[%dma_wait3A_94] : memref<10240xf32, #tpu.memory_space<vmem_shared>> -> memref<10240xf32, #tpu.memory_space<vmem_shared>>
      tpu.wait_indirect_dma semaphore(%arg9 : memref<!tpu.dma_semaphore, #tpu.memory_space<semaphore_mem>>) src(%arg5 : memref<128xf32, #tpu.memory_space<vmem>>) dst(%dma_wait3A_95 : memref<10240xf32, #tpu.memory_space<vmem_shared>>)
      %add3A_96 = arith.constant 4 : i32
      %add3A_97 = arith.addi %add3A_90, %add3A_96 : i32
      %dma_start3A_98 = arith.constant 0 : i32
      %dma_start3A_99 = tpu.memref_slice %arg4[%add3A_97, %dma_start3A_98] : memref<84x128xi32, #tpu.memory_space<vmem>> -> memref<1x128xi32, #tpu.memory_space<vmem>>
      %dma_start3A_100 = tpu.memref_squeeze %dma_start3A_99 : memref<1x128xi32, #tpu.memory_space<vmem>> -> memref<128xi32, #tpu.memory_space<vmem>>
      %dma_start3A_101 = arith.constant 0 : i32
      %dma_start3A_102 = tpu.memref_slice %arg7[%dma_start3A_101] : memref<10240xf32, #tpu.memory_space<vmem_shared>> -> memref<10240xf32, #tpu.memory_space<vmem_shared>>
      tpu.enqueue_indirect_dma source(%arg5 : memref<128xf32, #tpu.memory_space<vmem>>) target(%dma_start3A_102 : memref<10240xf32, #tpu.memory_space<vmem_shared>>) offsets(%dma_start3A_100 : memref<128xi32, #tpu.memory_space<vmem>>) semaphore(%arg9 : memref<!tpu.dma_semaphore, #tpu.memory_space<semaphore_mem>>) {add = true}
      %mul3A_103 = arith.constant 4 : i32
      %mul3A_104 = arith.muli %scan3A_71, %mul3A_103 : i32
      %add3A_105 = arith.constant 2 : i32
      %add3A_106 = arith.addi %mul3A_104, %add3A_105 : i32
      %dma_wait3A_107 = arith.constant 0 : i32
      %dma_wait3A_108 = tpu.memref_slice %arg4[%add3A_106, %dma_wait3A_107] : memref<84x128xi32, #tpu.memory_space<vmem>> -> memref<1x128xi32, #tpu.memory_space<vmem>>
      %dma_wait3A_109 = tpu.memref_squeeze %dma_wait3A_108 : memref<1x128xi32, #tpu.memory_space<vmem>> -> memref<128xi32, #tpu.memory_space<vmem>>
      %dma_wait3A_110 = arith.constant 0 : i32
      %dma_wait3A_111 = tpu.memref_slice %arg7[%dma_wait3A_110] : memref<10240xf32, #tpu.memory_space<vmem_shared>> -> memref<10240xf32, #tpu.memory_space<vmem_shared>>
      tpu.wait_indirect_dma semaphore(%arg10 : memref<!tpu.dma_semaphore, #tpu.memory_space<semaphore_mem>>) src(%arg5 : memref<128xf32, #tpu.memory_space<vmem>>) dst(%dma_wait3A_111 : memref<10240xf32, #tpu.memory_space<vmem_shared>>)
      %add3A_112 = arith.constant 4 : i32
      %add3A_113 = arith.addi %add3A_106, %add3A_112 : i32
      %dma_start3A_114 = arith.constant 0 : i32
      %dma_start3A_115 = tpu.memref_slice %arg4[%add3A_113, %dma_start3A_114] : memref<84x128xi32, #tpu.memory_space<vmem>> -> memref<1x128xi32, #tpu.memory_space<vmem>>
      %dma_start3A_116 = tpu.memref_squeeze %dma_start3A_115 : memref<1x128xi32, #tpu.memory_space<vmem>> -> memref<128xi32, #tpu.memory_space<vmem>>
      %dma_start3A_117 = arith.constant 0 : i32
      %dma_start3A_118 = tpu.memref_slice %arg7[%dma_start3A_117] : memref<10240xf32, #tpu.memory_space<vmem_shared>> -> memref<10240xf32, #tpu.memory_space<vmem_shared>>
      tpu.enqueue_indirect_dma source(%arg5 : memref<128xf32, #tpu.memory_space<vmem>>) target(%dma_start3A_118 : memref<10240xf32, #tpu.memory_space<vmem_shared>>) offsets(%dma_start3A_116 : memref<128xi32, #tpu.memory_space<vmem>>) semaphore(%arg10 : memref<!tpu.dma_semaphore, #tpu.memory_space<semaphore_mem>>) {add = true}
      %mul3A_119 = arith.constant 4 : i32
      %mul3A_120 = arith.muli %scan3A_71, %mul3A_119 : i32
      %add3A_121 = arith.constant 3 : i32
      %add3A_122 = arith.addi %mul3A_120, %add3A_121 : i32
      %dma_wait3A_123 = arith.constant 0 : i32
      %dma_wait3A_124 = tpu.memref_slice %arg4[%add3A_122, %dma_wait3A_123] : memref<84x128xi32, #tpu.memory_space<vmem>> -> memref<1x128xi32, #tpu.memory_space<vmem>>
      %dma_wait3A_125 = tpu.memref_squeeze %dma_wait3A_124 : memref<1x128xi32, #tpu.memory_space<vmem>> -> memref<128xi32, #tpu.memory_space<vmem>>
      %dma_wait3A_126 = arith.constant 0 : i32
      %dma_wait3A_127 = tpu.memref_slice %arg7[%dma_wait3A_126] : memref<10240xf32, #tpu.memory_space<vmem_shared>> -> memref<10240xf32, #tpu.memory_space<vmem_shared>>
      tpu.wait_indirect_dma semaphore(%arg11 : memref<!tpu.dma_semaphore, #tpu.memory_space<semaphore_mem>>) src(%arg5 : memref<128xf32, #tpu.memory_space<vmem>>) dst(%dma_wait3A_127 : memref<10240xf32, #tpu.memory_space<vmem_shared>>)
      %add3A_128 = arith.constant 4 : i32
      %add3A_129 = arith.addi %add3A_122, %add3A_128 : i32
      %dma_start3A_130 = arith.constant 0 : i32
      %dma_start3A_131 = tpu.memref_slice %arg4[%add3A_129, %dma_start3A_130] : memref<84x128xi32, #tpu.memory_space<vmem>> -> memref<1x128xi32, #tpu.memory_space<vmem>>
      %dma_start3A_132 = tpu.memref_squeeze %dma_start3A_131 : memref<1x128xi32, #tpu.memory_space<vmem>> -> memref<128xi32, #tpu.memory_space<vmem>>
      %dma_start3A_133 = arith.constant 0 : i32
      %dma_start3A_134 = tpu.memref_slice %arg7[%dma_start3A_133] : memref<10240xf32, #tpu.memory_space<vmem_shared>> -> memref<10240xf32, #tpu.memory_space<vmem_shared>>
      tpu.enqueue_indirect_dma source(%arg5 : memref<128xf32, #tpu.memory_space<vmem>>) target(%dma_start3A_134 : memref<10240xf32, #tpu.memory_space<vmem_shared>>) offsets(%dma_start3A_132 : memref<128xi32, #tpu.memory_space<vmem>>) semaphore(%arg11 : memref<!tpu.dma_semaphore, #tpu.memory_space<semaphore_mem>>) {add = true}
    }
    %scan3A_42 = arith.constant 20 : i32
    %dma_wait3A = arith.constant 80 : i32
    %dma_wait3A_43 = arith.constant 0 : i32
    %dma_wait3A_44 = tpu.memref_slice %arg4[%dma_wait3A, %dma_wait3A_43] : memref<84x128xi32, #tpu.memory_space<vmem>> -> memref<1x128xi32, #tpu.memory_space<vmem>>
    %dma_wait3A_45 = tpu.memref_squeeze %dma_wait3A_44 : memref<1x128xi32, #tpu.memory_space<vmem>> -> memref<128xi32, #tpu.memory_space<vmem>>
    %dma_wait3A_46 = arith.constant 0 : i32
    %dma_wait3A_47 = tpu.memref_slice %arg7[%dma_wait3A_46] : memref<10240xf32, #tpu.memory_space<vmem_shared>> -> memref<10240xf32, #tpu.memory_space<vmem_shared>>
    tpu.wait_indirect_dma semaphore(%arg8 : memref<!tpu.dma_semaphore, #tpu.memory_space<semaphore_mem>>) src(%arg5 : memref<128xf32, #tpu.memory_space<vmem>>) dst(%dma_wait3A_47 : memref<10240xf32, #tpu.memory_space<vmem_shared>>)
    %dma_wait3A_48 = arith.constant 81 : i32
    %dma_wait3A_49 = arith.constant 0 : i32
    %dma_wait3A_50 = tpu.memref_slice %arg4[%dma_wait3A_48, %dma_wait3A_49] : memref<84x128xi32, #tpu.memory_space<vmem>> -> memref<1x128xi32, #tpu.memory_space<vmem>>
    %dma_wait3A_51 = tpu.memref_squeeze %dma_wait3A_50 : memref<1x128xi32, #tpu.memory_space<vmem>> -> memref<128xi32, #tpu.memory_space<vmem>>
    %dma_wait3A_52 = arith.constant 0 : i32
    %dma_wait3A_53 = tpu.memref_slice %arg7[%dma_wait3A_52] : memref<10240xf32, #tpu.memory_space<vmem_shared>> -> memref<10240xf32, #tpu.memory_space<vmem_shared>>
    tpu.wait_indirect_dma semaphore(%arg9 : memref<!tpu.dma_semaphore, #tpu.memory_space<semaphore_mem>>) src(%arg5 : memref<128xf32, #tpu.memory_space<vmem>>) dst(%dma_wait3A_53 : memref<10240xf32, #tpu.memory_space<vmem_shared>>)
    %dma_wait3A_54 = arith.constant 82 : i32
    %dma_wait3A_55 = arith.constant 0 : i32
    %dma_wait3A_56 = tpu.memref_slice %arg4[%dma_wait3A_54, %dma_wait3A_55] : memref<84x128xi32, #tpu.memory_space<vmem>> -> memref<1x128xi32, #tpu.memory_space<vmem>>
    %dma_wait3A_57 = tpu.memref_squeeze %dma_wait3A_56 : memref<1x128xi32, #tpu.memory_space<vmem>> -> memref<128xi32, #tpu.memory_space<vmem>>
    %dma_wait3A_58 = arith.constant 0 : i32
    %dma_wait3A_59 = tpu.memref_slice %arg7[%dma_wait3A_58] : memref<10240xf32, #tpu.memory_space<vmem_shared>> -> memref<10240xf32, #tpu.memory_space<vmem_shared>>
    tpu.wait_indirect_dma semaphore(%arg10 : memref<!tpu.dma_semaphore, #tpu.memory_space<semaphore_mem>>) src(%arg5 : memref<128xf32, #tpu.memory_space<vmem>>) dst(%dma_wait3A_59 : memref<10240xf32, #tpu.memory_space<vmem_shared>>)
    %dma_wait3A_60 = arith.constant 83 : i32
    %dma_wait3A_61 = arith.constant 0 : i32
    %dma_wait3A_62 = tpu.memref_slice %arg4[%dma_wait3A_60, %dma_wait3A_61] : memref<84x128xi32, #tpu.memory_space<vmem>> -> memref<1x128xi32, #tpu.memory_space<vmem>>
    %dma_wait3A_63 = tpu.memref_squeeze %dma_wait3A_62 : memref<1x128xi32, #tpu.memory_space<vmem>> -> memref<128xi32, #tpu.memory_space<vmem>>
    %dma_wait3A_64 = arith.constant 0 : i32
    %dma_wait3A_65 = tpu.memref_slice %arg7[%dma_wait3A_64] : memref<10240xf32, #tpu.memory_space<vmem_shared>> -> memref<10240xf32, #tpu.memory_space<vmem_shared>>
    tpu.wait_indirect_dma semaphore(%arg11 : memref<!tpu.dma_semaphore, #tpu.memory_space<semaphore_mem>>) src(%arg5 : memref<128xf32, #tpu.memory_space<vmem>>) dst(%dma_wait3A_65 : memref<10240xf32, #tpu.memory_space<vmem_shared>>)
    %barrier3A_66 = arith.constant 0 : index
    tpu.barrier barrier_id(%barrier3A_66)
    %mul3A_67 = arith.constant 640 : i32
    %mul3A_68 = arith.muli %arg1, %mul3A_67 : i32
    %mul3A_69 = arith.constant 640 : i32
    %mul3A_70 = arith.muli %arg1, %mul3A_69 : i32
    "tpu.region"() ({
      %run_scoped3A = tpu.sem_alloc : memref<!tpu.dma_semaphore, #tpu.memory_space<semaphore_mem>>
      %dma_start3A_71 = arith.constant 0 : i32
      %dma_start3A_72 = tpu.memref_slice %arg3[%arg0, %dma_start3A_71] : memref<2x10240xf32, #tpu.memory_space<hbm>> -> memref<1x10240xf32, #tpu.memory_space<hbm>>
      %dma_start3A_73 = tpu.memref_squeeze %dma_start3A_72 : memref<1x10240xf32, #tpu.memory_space<hbm>> -> memref<10240xf32, #tpu.memory_space<hbm>>
      %dma_start3A_74 = tpu.memref_slice %dma_start3A_73[%mul3A_70] : memref<10240xf32, #tpu.memory_space<hbm>> -> memref<640xf32, #tpu.memory_space<hbm>>
      %dma_start3A_75 = tpu.memref_slice %arg7[%mul3A_68] : memref<10240xf32, #tpu.memory_space<vmem_shared>> -> memref<640xf32, #tpu.memory_space<vmem_shared>>
      tpu.enqueue_dma source(%dma_start3A_75 : memref<640xf32, #tpu.memory_space<vmem_shared>>) target(%dma_start3A_74 : memref<640xf32, #tpu.memory_space<hbm>>) target_semaphore(%run_scoped3A : memref<!tpu.dma_semaphore, #tpu.memory_space<semaphore_mem>>)
      %dma_wait3A_76 = arith.constant 0 : i32
      %dma_wait3A_77 = tpu.memref_slice %arg3[%arg0, %dma_wait3A_76] : memref<2x10240xf32, #tpu.memory_space<hbm>> -> memref<1x10240xf32, #tpu.memory_space<hbm>>
      %dma_wait3A_78 = tpu.memref_squeeze %dma_wait3A_77 : memref<1x10240xf32, #tpu.memory_space<hbm>> -> memref<10240xf32, #tpu.memory_space<hbm>>
      %dma_wait3A_79 = tpu.memref_slice %dma_wait3A_78[%mul3A_70] : memref<10240xf32, #tpu.memory_space<hbm>> -> memref<640xf32, #tpu.memory_space<hbm>>
      %dma_wait3A_80 = tpu.memref_slice %arg7[%mul3A_68] : memref<10240xf32, #tpu.memory_space<vmem_shared>> -> memref<640xf32, #tpu.memory_space<vmem_shared>>
      tpu.wait_dma2 semaphore(%run_scoped3A : memref<!tpu.dma_semaphore, #tpu.memory_space<semaphore_mem>>) src(%dma_wait3A_80 : memref<640xf32, #tpu.memory_space<vmem_shared>>) dst(%dma_wait3A_79 : memref<640xf32, #tpu.memory_space<hbm>>)
      tpu.yield
    }) : () -> ()
    return
  }
}

#map = affine_map<(d0, d1) -> (0, 0, 0, 0)>
#map1 = affine_map<(d0, d1) -> (0, 0, 0)>
#map2 = affine_map<(d0, d1) -> (0, 0)>
module attributes {stable_mosaic.version = 14 : i64} {
  func.func @_edge_body(%arg0: i32, %arg1: i32, %arg2: memref<2x16x168x128xi32, #tpu.memory_space<hbm>>, %arg3: memref<16x168x128xi32, #tpu.memory_space<hbm>>, %arg4: memref<20480x64xf32, #tpu.memory_space<hbm>>, %arg5: memref<2x10240x64xf32, #tpu.memory_space<hbm>>, %arg6: memref<168x128xi32, #tpu.memory_space<vmem>>, %arg7: memref<168x128xi32, #tpu.memory_space<vmem>>, %arg8: memref<128x64xf32, #tpu.memory_space<vmem>>, %arg9: memref<128x64xf32, #tpu.memory_space<vmem>>, %arg10: memref<128x64xf32, #tpu.memory_space<vmem>>, %arg11: memref<128x64xf32, #tpu.memory_space<vmem>>, %arg12: memref<10240x64xf32, #tpu.memory_space<vmem_shared>>, %arg13: memref<!tpu.dma_semaphore, #tpu.memory_space<semaphore_mem>>, %arg14: memref<!tpu.dma_semaphore, #tpu.memory_space<semaphore_mem>>, %arg15: memref<!tpu.dma_semaphore, #tpu.memory_space<semaphore_mem>>, %arg16: memref<!tpu.dma_semaphore, #tpu.memory_space<semaphore_mem>>, %arg17: memref<!tpu.dma_semaphore, #tpu.memory_space<semaphore_mem>>) attributes {dimension_semantics = [#tpu.dimension_semantics<core_parallel>, #tpu.dimension_semantics<subcore_parallel>], iteration_bounds = array<i64: 2, 16>, scalar_prefetch = 0 : i64, scratch_operands = 12 : i64, tpu.core_type = #tpu.core_type<sc_vector_subcore>, window_params = [{transform_indices = #map}, {transform_indices = #map1}, {transform_indices = #map2}, {transform_indices = #map1}]} {
    %scan3A = arith.constant 0 : i32
    %scan3A_0 = arith.constant 0 : i32
    %scan3A_1 = arith.constant 128 : i32
    %scan3A_2 = arith.addi %scan3A_0, %scan3A_1 : i32
    %scan3A_3 = arith.constant 1 : i32
    scf.for %scan3A_151 = %scan3A_0 to %scan3A_2 step %scan3A_3  : i32 {
      %broadcast_in_dim3A = arith.constant 0.000000e+00 : f32
      %broadcast_in_dim3A_152 = vector.broadcast %broadcast_in_dim3A : f32 to vector<16xf32>
      %swap3A = arith.index_cast %scan3A_151 : i32 to index
      %swap3A_153 = arith.constant 0 : index
      %swap3A_154 = tpu.vector_load %arg8[%swap3A, %swap3A_153] {strides = array<i32>} : memref<128x64xf32, #tpu.memory_space<vmem>>, vector<1x16xf32>,
      %swap3A_155 = vector.shape_cast %swap3A_154 : vector<1x16xf32> to vector<16xf32>
      %swap3A_156 = vector.shape_cast %broadcast_in_dim3A_152 : vector<16xf32> to vector<1x16xf32>
      tpu.vector_store %arg8[%swap3A, %swap3A_153], %swap3A_156 {strides = array<i32>} : memref<128x64xf32, #tpu.memory_space<vmem>>, vector<1x16xf32>,
      %broadcast_in_dim3A_157 = arith.constant 0.000000e+00 : f32
      %broadcast_in_dim3A_158 = vector.broadcast %broadcast_in_dim3A_157 : f32 to vector<16xf32>
      %swap3A_159 = arith.index_cast %scan3A_151 : i32 to index
      %swap3A_160 = arith.constant 16 : index
      %swap3A_161 = tpu.vector_load %arg8[%swap3A_159, %swap3A_160] {strides = array<i32>} : memref<128x64xf32, #tpu.memory_space<vmem>>, vector<1x16xf32>,
      %swap3A_162 = vector.shape_cast %swap3A_161 : vector<1x16xf32> to vector<16xf32>
      %swap3A_163 = vector.shape_cast %broadcast_in_dim3A_158 : vector<16xf32> to vector<1x16xf32>
      tpu.vector_store %arg8[%swap3A_159, %swap3A_160], %swap3A_163 {strides = array<i32>} : memref<128x64xf32, #tpu.memory_space<vmem>>, vector<1x16xf32>,
      %broadcast_in_dim3A_164 = arith.constant 0.000000e+00 : f32
      %broadcast_in_dim3A_165 = vector.broadcast %broadcast_in_dim3A_164 : f32 to vector<16xf32>
      %swap3A_166 = arith.index_cast %scan3A_151 : i32 to index
      %swap3A_167 = arith.constant 32 : index
      %swap3A_168 = tpu.vector_load %arg8[%swap3A_166, %swap3A_167] {strides = array<i32>} : memref<128x64xf32, #tpu.memory_space<vmem>>, vector<1x16xf32>,
      %swap3A_169 = vector.shape_cast %swap3A_168 : vector<1x16xf32> to vector<16xf32>
      %swap3A_170 = vector.shape_cast %broadcast_in_dim3A_165 : vector<16xf32> to vector<1x16xf32>
      tpu.vector_store %arg8[%swap3A_166, %swap3A_167], %swap3A_170 {strides = array<i32>} : memref<128x64xf32, #tpu.memory_space<vmem>>, vector<1x16xf32>,
      %broadcast_in_dim3A_171 = arith.constant 0.000000e+00 : f32
      %broadcast_in_dim3A_172 = vector.broadcast %broadcast_in_dim3A_171 : f32 to vector<16xf32>
      %swap3A_173 = arith.index_cast %scan3A_151 : i32 to index
      %swap3A_174 = arith.constant 48 : index
      %swap3A_175 = tpu.vector_load %arg8[%swap3A_173, %swap3A_174] {strides = array<i32>} : memref<128x64xf32, #tpu.memory_space<vmem>>, vector<1x16xf32>,
      %swap3A_176 = vector.shape_cast %swap3A_175 : vector<1x16xf32> to vector<16xf32>
      %swap3A_177 = vector.shape_cast %broadcast_in_dim3A_172 : vector<16xf32> to vector<1x16xf32>
      tpu.vector_store %arg8[%swap3A_173, %swap3A_174], %swap3A_177 {strides = array<i32>} : memref<128x64xf32, #tpu.memory_space<vmem>>, vector<1x16xf32>,
    }
    %scan3A_4 = arith.constant 128 : i32
    %mul3A = arith.constant 640 : i32
    %mul3A_5 = arith.muli %arg1, %mul3A : i32
    %add3A = arith.constant 0 : i32
    %add3A_6 = arith.addi %mul3A_5, %add3A : i32
    "tpu.region"() ({
      %run_scoped3A = tpu.sem_alloc : memref<!tpu.dma_semaphore, #tpu.memory_space<semaphore_mem>>
      %dma_start3A_151 = arith.constant 0 : i32
      %dma_start3A_152 = tpu.memref_slice %arg12[%add3A_6, %dma_start3A_151] : memref<10240x64xf32, #tpu.memory_space<vmem_shared>> -> memref<128x64xf32, #tpu.memory_space<vmem_shared>>
      %dma_start3A_153 = arith.constant 0 : i32
      %dma_start3A_154 = tpu.memref_slice %arg12[%add3A_6, %dma_start3A_153] : memref<10240x64xf32, #tpu.memory_space<vmem_shared>> -> memref<128x64xf32, #tpu.memory_space<vmem_shared>>
      tpu.enqueue_dma source(%arg8 : memref<128x64xf32, #tpu.memory_space<vmem>>) target(%dma_start3A_154 : memref<128x64xf32, #tpu.memory_space<vmem_shared>>) target_semaphore(%run_scoped3A : memref<!tpu.dma_semaphore, #tpu.memory_space<semaphore_mem>>)
      %dma_wait3A_155 = arith.constant 0 : i32
      %dma_wait3A_156 = tpu.memref_slice %arg12[%add3A_6, %dma_wait3A_155] : memref<10240x64xf32, #tpu.memory_space<vmem_shared>> -> memref<128x64xf32, #tpu.memory_space<vmem_shared>>
      %dma_wait3A_157 = arith.constant 0 : i32
      %dma_wait3A_158 = tpu.memref_slice %arg12[%add3A_6, %dma_wait3A_157] : memref<10240x64xf32, #tpu.memory_space<vmem_shared>> -> memref<128x64xf32, #tpu.memory_space<vmem_shared>>
      tpu.wait_dma2 semaphore(%run_scoped3A : memref<!tpu.dma_semaphore, #tpu.memory_space<semaphore_mem>>) src(%arg8 : memref<128x64xf32, #tpu.memory_space<vmem>>) dst(%dma_wait3A_158 : memref<128x64xf32, #tpu.memory_space<vmem_shared>>)
      tpu.yield
    }) : () -> ()
    %mul3A_7 = arith.constant 640 : i32
    %mul3A_8 = arith.muli %arg1, %mul3A_7 : i32
    %add3A_9 = arith.constant 128 : i32
    %add3A_10 = arith.addi %mul3A_8, %add3A_9 : i32
    "tpu.region"() ({
      %run_scoped3A = tpu.sem_alloc : memref<!tpu.dma_semaphore, #tpu.memory_space<semaphore_mem>>
      %dma_start3A_151 = arith.constant 0 : i32
      %dma_start3A_152 = tpu.memref_slice %arg12[%add3A_10, %dma_start3A_151] : memref<10240x64xf32, #tpu.memory_space<vmem_shared>> -> memref<128x64xf32, #tpu.memory_space<vmem_shared>>
      %dma_start3A_153 = arith.constant 0 : i32
      %dma_start3A_154 = tpu.memref_slice %arg12[%add3A_10, %dma_start3A_153] : memref<10240x64xf32, #tpu.memory_space<vmem_shared>> -> memref<128x64xf32, #tpu.memory_space<vmem_shared>>
      tpu.enqueue_dma source(%arg8 : memref<128x64xf32, #tpu.memory_space<vmem>>) target(%dma_start3A_154 : memref<128x64xf32, #tpu.memory_space<vmem_shared>>) target_semaphore(%run_scoped3A : memref<!tpu.dma_semaphore, #tpu.memory_space<semaphore_mem>>)
      %dma_wait3A_155 = arith.constant 0 : i32
      %dma_wait3A_156 = tpu.memref_slice %arg12[%add3A_10, %dma_wait3A_155] : memref<10240x64xf32, #tpu.memory_space<vmem_shared>> -> memref<128x64xf32, #tpu.memory_space<vmem_shared>>
      %dma_wait3A_157 = arith.constant 0 : i32
      %dma_wait3A_158 = tpu.memref_slice %arg12[%add3A_10, %dma_wait3A_157] : memref<10240x64xf32, #tpu.memory_space<vmem_shared>> -> memref<128x64xf32, #tpu.memory_space<vmem_shared>>
      tpu.wait_dma2 semaphore(%run_scoped3A : memref<!tpu.dma_semaphore, #tpu.memory_space<semaphore_mem>>) src(%arg8 : memref<128x64xf32, #tpu.memory_space<vmem>>) dst(%dma_wait3A_158 : memref<128x64xf32, #tpu.memory_space<vmem_shared>>)
      tpu.yield
    }) : () -> ()
    %mul3A_11 = arith.constant 640 : i32
    %mul3A_12 = arith.muli %arg1, %mul3A_11 : i32
    %add3A_13 = arith.constant 256 : i32
    %add3A_14 = arith.addi %mul3A_12, %add3A_13 : i32
    "tpu.region"() ({
      %run_scoped3A = tpu.sem_alloc : memref<!tpu.dma_semaphore, #tpu.memory_space<semaphore_mem>>
      %dma_start3A_151 = arith.constant 0 : i32
      %dma_start3A_152 = tpu.memref_slice %arg12[%add3A_14, %dma_start3A_151] : memref<10240x64xf32, #tpu.memory_space<vmem_shared>> -> memref<128x64xf32, #tpu.memory_space<vmem_shared>>
      %dma_start3A_153 = arith.constant 0 : i32
      %dma_start3A_154 = tpu.memref_slice %arg12[%add3A_14, %dma_start3A_153] : memref<10240x64xf32, #tpu.memory_space<vmem_shared>> -> memref<128x64xf32, #tpu.memory_space<vmem_shared>>
      tpu.enqueue_dma source(%arg8 : memref<128x64xf32, #tpu.memory_space<vmem>>) target(%dma_start3A_154 : memref<128x64xf32, #tpu.memory_space<vmem_shared>>) target_semaphore(%run_scoped3A : memref<!tpu.dma_semaphore, #tpu.memory_space<semaphore_mem>>)
      %dma_wait3A_155 = arith.constant 0 : i32
      %dma_wait3A_156 = tpu.memref_slice %arg12[%add3A_14, %dma_wait3A_155] : memref<10240x64xf32, #tpu.memory_space<vmem_shared>> -> memref<128x64xf32, #tpu.memory_space<vmem_shared>>
      %dma_wait3A_157 = arith.constant 0 : i32
      %dma_wait3A_158 = tpu.memref_slice %arg12[%add3A_14, %dma_wait3A_157] : memref<10240x64xf32, #tpu.memory_space<vmem_shared>> -> memref<128x64xf32, #tpu.memory_space<vmem_shared>>
      tpu.wait_dma2 semaphore(%run_scoped3A : memref<!tpu.dma_semaphore, #tpu.memory_space<semaphore_mem>>) src(%arg8 : memref<128x64xf32, #tpu.memory_space<vmem>>) dst(%dma_wait3A_158 : memref<128x64xf32, #tpu.memory_space<vmem_shared>>)
      tpu.yield
    }) : () -> ()
    %mul3A_15 = arith.constant 640 : i32
    %mul3A_16 = arith.muli %arg1, %mul3A_15 : i32
    %add3A_17 = arith.constant 384 : i32
    %add3A_18 = arith.addi %mul3A_16, %add3A_17 : i32
    "tpu.region"() ({
      %run_scoped3A = tpu.sem_alloc : memref<!tpu.dma_semaphore, #tpu.memory_space<semaphore_mem>>
      %dma_start3A_151 = arith.constant 0 : i32
      %dma_start3A_152 = tpu.memref_slice %arg12[%add3A_18, %dma_start3A_151] : memref<10240x64xf32, #tpu.memory_space<vmem_shared>> -> memref<128x64xf32, #tpu.memory_space<vmem_shared>>
      %dma_start3A_153 = arith.constant 0 : i32
      %dma_start3A_154 = tpu.memref_slice %arg12[%add3A_18, %dma_start3A_153] : memref<10240x64xf32, #tpu.memory_space<vmem_shared>> -> memref<128x64xf32, #tpu.memory_space<vmem_shared>>
      tpu.enqueue_dma source(%arg8 : memref<128x64xf32, #tpu.memory_space<vmem>>) target(%dma_start3A_154 : memref<128x64xf32, #tpu.memory_space<vmem_shared>>) target_semaphore(%run_scoped3A : memref<!tpu.dma_semaphore, #tpu.memory_space<semaphore_mem>>)
      %dma_wait3A_155 = arith.constant 0 : i32
      %dma_wait3A_156 = tpu.memref_slice %arg12[%add3A_18, %dma_wait3A_155] : memref<10240x64xf32, #tpu.memory_space<vmem_shared>> -> memref<128x64xf32, #tpu.memory_space<vmem_shared>>
      %dma_wait3A_157 = arith.constant 0 : i32
      %dma_wait3A_158 = tpu.memref_slice %arg12[%add3A_18, %dma_wait3A_157] : memref<10240x64xf32, #tpu.memory_space<vmem_shared>> -> memref<128x64xf32, #tpu.memory_space<vmem_shared>>
      tpu.wait_dma2 semaphore(%run_scoped3A : memref<!tpu.dma_semaphore, #tpu.memory_space<semaphore_mem>>) src(%arg8 : memref<128x64xf32, #tpu.memory_space<vmem>>) dst(%dma_wait3A_158 : memref<128x64xf32, #tpu.memory_space<vmem_shared>>)
      tpu.yield
    }) : () -> ()
    %mul3A_19 = arith.constant 640 : i32
    %mul3A_20 = arith.muli %arg1, %mul3A_19 : i32
    %add3A_21 = arith.constant 512 : i32
    %add3A_22 = arith.addi %mul3A_20, %add3A_21 : i32
    "tpu.region"() ({
      %run_scoped3A = tpu.sem_alloc : memref<!tpu.dma_semaphore, #tpu.memory_space<semaphore_mem>>
      %dma_start3A_151 = arith.constant 0 : i32
      %dma_start3A_152 = tpu.memref_slice %arg12[%add3A_22, %dma_start3A_151] : memref<10240x64xf32, #tpu.memory_space<vmem_shared>> -> memref<128x64xf32, #tpu.memory_space<vmem_shared>>
      %dma_start3A_153 = arith.constant 0 : i32
      %dma_start3A_154 = tpu.memref_slice %arg12[%add3A_22, %dma_start3A_153] : memref<10240x64xf32, #tpu.memory_space<vmem_shared>> -> memref<128x64xf32, #tpu.memory_space<vmem_shared>>
      tpu.enqueue_dma source(%arg8 : memref<128x64xf32, #tpu.memory_space<vmem>>) target(%dma_start3A_154 : memref<128x64xf32, #tpu.memory_space<vmem_shared>>) target_semaphore(%run_scoped3A : memref<!tpu.dma_semaphore, #tpu.memory_space<semaphore_mem>>)
      %dma_wait3A_155 = arith.constant 0 : i32
      %dma_wait3A_156 = tpu.memref_slice %arg12[%add3A_22, %dma_wait3A_155] : memref<10240x64xf32, #tpu.memory_space<vmem_shared>> -> memref<128x64xf32, #tpu.memory_space<vmem_shared>>
      %dma_wait3A_157 = arith.constant 0 : i32
      %dma_wait3A_158 = tpu.memref_slice %arg12[%add3A_22, %dma_wait3A_157] : memref<10240x64xf32, #tpu.memory_space<vmem_shared>> -> memref<128x64xf32, #tpu.memory_space<vmem_shared>>
      tpu.wait_dma2 semaphore(%run_scoped3A : memref<!tpu.dma_semaphore, #tpu.memory_space<semaphore_mem>>) src(%arg8 : memref<128x64xf32, #tpu.memory_space<vmem>>) dst(%dma_wait3A_158 : memref<128x64xf32, #tpu.memory_space<vmem_shared>>)
      tpu.yield
    }) : () -> ()
    "tpu.region"() ({
      %run_scoped3A = tpu.sem_alloc : memref<!tpu.dma_semaphore, #tpu.memory_space<semaphore_mem>>
      %dma_start3A_151 = arith.constant 0 : i32
      %dma_start3A_152 = arith.constant 0 : i32
      %dma_start3A_153 = arith.constant 0 : i32
      %dma_start3A_154 = tpu.memref_slice %arg2[%arg0, %dma_start3A_151, %dma_start3A_152, %dma_start3A_153] : memref<2x16x168x128xi32, #tpu.memory_space<hbm>> -> memref<1x16x168x128xi32, #tpu.memory_space<hbm>>
      %dma_start3A_155 = tpu.memref_squeeze %dma_start3A_154 : memref<1x16x168x128xi32, #tpu.memory_space<hbm>> -> memref<16x168x128xi32, #tpu.memory_space<hbm>>
      %dma_start3A_156 = arith.constant 0 : i32
      %dma_start3A_157 = arith.constant 0 : i32
      %dma_start3A_158 = tpu.memref_slice %dma_start3A_155[%arg1, %dma_start3A_156, %dma_start3A_157] : memref<16x168x128xi32, #tpu.memory_space<hbm>> -> memref<1x168x128xi32, #tpu.memory_space<hbm>>
      %dma_start3A_159 = tpu.memref_squeeze %dma_start3A_158 : memref<1x168x128xi32, #tpu.memory_space<hbm>> -> memref<168x128xi32, #tpu.memory_space<hbm>>
      %dma_start3A_160 = arith.constant 0 : i32
      %dma_start3A_161 = arith.constant 0 : i32
      %dma_start3A_162 = arith.constant 0 : i32
      %dma_start3A_163 = tpu.memref_slice %arg2[%arg0, %dma_start3A_160, %dma_start3A_161, %dma_start3A_162] : memref<2x16x168x128xi32, #tpu.memory_space<hbm>> -> memref<1x16x168x128xi32, #tpu.memory_space<hbm>>
      %dma_start3A_164 = tpu.memref_squeeze %dma_start3A_163 : memref<1x16x168x128xi32, #tpu.memory_space<hbm>> -> memref<16x168x128xi32, #tpu.memory_space<hbm>>
      %dma_start3A_165 = arith.constant 0 : i32
      %dma_start3A_166 = arith.constant 0 : i32
      %dma_start3A_167 = tpu.memref_slice %dma_start3A_164[%arg1, %dma_start3A_165, %dma_start3A_166] : memref<16x168x128xi32, #tpu.memory_space<hbm>> -> memref<1x168x128xi32, #tpu.memory_space<hbm>>
      %dma_start3A_168 = tpu.memref_squeeze %dma_start3A_167 : memref<1x168x128xi32, #tpu.memory_space<hbm>> -> memref<168x128xi32, #tpu.memory_space<hbm>>
      tpu.enqueue_dma source(%dma_start3A_168 : memref<168x128xi32, #tpu.memory_space<hbm>>) target(%arg6 : memref<168x128xi32, #tpu.memory_space<vmem>>) target_semaphore(%run_scoped3A : memref<!tpu.dma_semaphore, #tpu.memory_space<semaphore_mem>>)
      %dma_wait3A_169 = arith.constant 0 : i32
      %dma_wait3A_170 = arith.constant 0 : i32
      %dma_wait3A_171 = arith.constant 0 : i32
      %dma_wait3A_172 = tpu.memref_slice %arg2[%arg0, %dma_wait3A_169, %dma_wait3A_170, %dma_wait3A_171] : memref<2x16x168x128xi32, #tpu.memory_space<hbm>> -> memref<1x16x168x128xi32, #tpu.memory_space<hbm>>
      %dma_wait3A_173 = tpu.memref_squeeze %dma_wait3A_172 : memref<1x16x168x128xi32, #tpu.memory_space<hbm>> -> memref<16x168x128xi32, #tpu.memory_space<hbm>>
      %dma_wait3A_174 = arith.constant 0 : i32
      %dma_wait3A_175 = arith.constant 0 : i32
      %dma_wait3A_176 = tpu.memref_slice %dma_wait3A_173[%arg1, %dma_wait3A_174, %dma_wait3A_175] : memref<16x168x128xi32, #tpu.memory_space<hbm>> -> memref<1x168x128xi32, #tpu.memory_space<hbm>>
      %dma_wait3A_177 = tpu.memref_squeeze %dma_wait3A_176 : memref<1x168x128xi32, #tpu.memory_space<hbm>> -> memref<168x128xi32, #tpu.memory_space<hbm>>
      %dma_wait3A_178 = arith.constant 0 : i32
      %dma_wait3A_179 = arith.constant 0 : i32
      %dma_wait3A_180 = arith.constant 0 : i32
      %dma_wait3A_181 = tpu.memref_slice %arg2[%arg0, %dma_wait3A_178, %dma_wait3A_179, %dma_wait3A_180] : memref<2x16x168x128xi32, #tpu.memory_space<hbm>> -> memref<1x16x168x128xi32, #tpu.memory_space<hbm>>
      %dma_wait3A_182 = tpu.memref_squeeze %dma_wait3A_181 : memref<1x16x168x128xi32, #tpu.memory_space<hbm>> -> memref<16x168x128xi32, #tpu.memory_space<hbm>>
      %dma_wait3A_183 = arith.constant 0 : i32
      %dma_wait3A_184 = arith.constant 0 : i32
      %dma_wait3A_185 = tpu.memref_slice %dma_wait3A_182[%arg1, %dma_wait3A_183, %dma_wait3A_184] : memref<16x168x128xi32, #tpu.memory_space<hbm>> -> memref<1x168x128xi32, #tpu.memory_space<hbm>>
      %dma_wait3A_186 = tpu.memref_squeeze %dma_wait3A_185 : memref<1x168x128xi32, #tpu.memory_space<hbm>> -> memref<168x128xi32, #tpu.memory_space<hbm>>
      tpu.wait_dma2 semaphore(%run_scoped3A : memref<!tpu.dma_semaphore, #tpu.memory_space<semaphore_mem>>) src(%dma_wait3A_186 : memref<168x128xi32, #tpu.memory_space<hbm>>) dst(%arg6 : memref<168x128xi32, #tpu.memory_space<vmem>>)
      tpu.yield
    }) : () -> ()
    "tpu.region"() ({
      %run_scoped3A = tpu.sem_alloc : memref<!tpu.dma_semaphore, #tpu.memory_space<semaphore_mem>>
      %dma_start3A_151 = arith.constant 0 : i32
      %dma_start3A_152 = arith.constant 0 : i32
      %dma_start3A_153 = tpu.memref_slice %arg3[%arg1, %dma_start3A_151, %dma_start3A_152] : memref<16x168x128xi32, #tpu.memory_space<hbm>> -> memref<1x168x128xi32, #tpu.memory_space<hbm>>
      %dma_start3A_154 = tpu.memref_squeeze %dma_start3A_153 : memref<1x168x128xi32, #tpu.memory_space<hbm>> -> memref<168x128xi32, #tpu.memory_space<hbm>>
      %dma_start3A_155 = arith.constant 0 : i32
      %dma_start3A_156 = arith.constant 0 : i32
      %dma_start3A_157 = tpu.memref_slice %arg3[%arg1, %dma_start3A_155, %dma_start3A_156] : memref<16x168x128xi32, #tpu.memory_space<hbm>> -> memref<1x168x128xi32, #tpu.memory_space<hbm>>
      %dma_start3A_158 = tpu.memref_squeeze %dma_start3A_157 : memref<1x168x128xi32, #tpu.memory_space<hbm>> -> memref<168x128xi32, #tpu.memory_space<hbm>>
      tpu.enqueue_dma source(%dma_start3A_158 : memref<168x128xi32, #tpu.memory_space<hbm>>) target(%arg7 : memref<168x128xi32, #tpu.memory_space<vmem>>) target_semaphore(%run_scoped3A : memref<!tpu.dma_semaphore, #tpu.memory_space<semaphore_mem>>)
      %dma_wait3A_159 = arith.constant 0 : i32
      %dma_wait3A_160 = arith.constant 0 : i32
      %dma_wait3A_161 = tpu.memref_slice %arg3[%arg1, %dma_wait3A_159, %dma_wait3A_160] : memref<16x168x128xi32, #tpu.memory_space<hbm>> -> memref<1x168x128xi32, #tpu.memory_space<hbm>>
      %dma_wait3A_162 = tpu.memref_squeeze %dma_wait3A_161 : memref<1x168x128xi32, #tpu.memory_space<hbm>> -> memref<168x128xi32, #tpu.memory_space<hbm>>
      %dma_wait3A_163 = arith.constant 0 : i32
      %dma_wait3A_164 = arith.constant 0 : i32
      %dma_wait3A_165 = tpu.memref_slice %arg3[%arg1, %dma_wait3A_163, %dma_wait3A_164] : memref<16x168x128xi32, #tpu.memory_space<hbm>> -> memref<1x168x128xi32, #tpu.memory_space<hbm>>
      %dma_wait3A_166 = tpu.memref_squeeze %dma_wait3A_165 : memref<1x168x128xi32, #tpu.memory_space<hbm>> -> memref<168x128xi32, #tpu.memory_space<hbm>>
      tpu.wait_dma2 semaphore(%run_scoped3A : memref<!tpu.dma_semaphore, #tpu.memory_space<semaphore_mem>>) src(%dma_wait3A_166 : memref<168x128xi32, #tpu.memory_space<hbm>>) dst(%arg7 : memref<168x128xi32, #tpu.memory_space<vmem>>)
      tpu.yield
    }) : () -> ()
    %barrier3A = arith.constant 0 : index
    tpu.barrier barrier_id(%barrier3A)
    %dma_start3A = arith.constant 0 : i32
    %dma_start3A_23 = arith.constant 0 : i32
    %dma_start3A_24 = tpu.memref_slice %arg6[%dma_start3A, %dma_start3A_23] : memref<168x128xi32, #tpu.memory_space<vmem>> -> memref<1x128xi32, #tpu.memory_space<vmem>>
    %dma_start3A_25 = tpu.memref_squeeze %dma_start3A_24 : memref<1x128xi32, #tpu.memory_space<vmem>> -> memref<128xi32, #tpu.memory_space<vmem>>
    %dma_start3A_26 = arith.constant 0 : i32
    %dma_start3A_27 = arith.constant 0 : i32
    %dma_start3A_28 = tpu.memref_slice %arg4[%dma_start3A_26, %dma_start3A_27] : memref<20480x64xf32, #tpu.memory_space<hbm>> -> memref<20480x64xf32, #tpu.memory_space<hbm>>
    tpu.enqueue_indirect_dma source(%dma_start3A_28 : memref<20480x64xf32, #tpu.memory_space<hbm>>) target(%arg8 : memref<128x64xf32, #tpu.memory_space<vmem>>) offsets(%dma_start3A_25 : memref<128xi32, #tpu.memory_space<vmem>>) semaphore(%arg13 : memref<!tpu.dma_semaphore, #tpu.memory_space<semaphore_mem>>)
    %dma_start3A_29 = arith.constant 1 : i32
    %dma_start3A_30 = arith.constant 0 : i32
    %dma_start3A_31 = tpu.memref_slice %arg6[%dma_start3A_29, %dma_start3A_30] : memref<168x128xi32, #tpu.memory_space<vmem>> -> memref<1x128xi32, #tpu.memory_space<vmem>>
    %dma_start3A_32 = tpu.memref_squeeze %dma_start3A_31 : memref<1x128xi32, #tpu.memory_space<vmem>> -> memref<128xi32, #tpu.memory_space<vmem>>
    %dma_start3A_33 = arith.constant 0 : i32
    %dma_start3A_34 = arith.constant 0 : i32
    %dma_start3A_35 = tpu.memref_slice %arg4[%dma_start3A_33, %dma_start3A_34] : memref<20480x64xf32, #tpu.memory_space<hbm>> -> memref<20480x64xf32, #tpu.memory_space<hbm>>
    tpu.enqueue_indirect_dma source(%dma_start3A_35 : memref<20480x64xf32, #tpu.memory_space<hbm>>) target(%arg9 : memref<128x64xf32, #tpu.memory_space<vmem>>) offsets(%dma_start3A_32 : memref<128xi32, #tpu.memory_space<vmem>>) semaphore(%arg14 : memref<!tpu.dma_semaphore, #tpu.memory_space<semaphore_mem>>)
    %dma_start3A_36 = arith.constant 2 : i32
    %dma_start3A_37 = arith.constant 0 : i32
    %dma_start3A_38 = tpu.memref_slice %arg6[%dma_start3A_36, %dma_start3A_37] : memref<168x128xi32, #tpu.memory_space<vmem>> -> memref<1x128xi32, #tpu.memory_space<vmem>>
    %dma_start3A_39 = tpu.memref_squeeze %dma_start3A_38 : memref<1x128xi32, #tpu.memory_space<vmem>> -> memref<128xi32, #tpu.memory_space<vmem>>
    %dma_start3A_40 = arith.constant 0 : i32
    %dma_start3A_41 = arith.constant 0 : i32
    %dma_start3A_42 = tpu.memref_slice %arg4[%dma_start3A_40, %dma_start3A_41] : memref<20480x64xf32, #tpu.memory_space<hbm>> -> memref<20480x64xf32, #tpu.memory_space<hbm>>
    tpu.enqueue_indirect_dma source(%dma_start3A_42 : memref<20480x64xf32, #tpu.memory_space<hbm>>) target(%arg10 : memref<128x64xf32, #tpu.memory_space<vmem>>) offsets(%dma_start3A_39 : memref<128xi32, #tpu.memory_space<vmem>>) semaphore(%arg15 : memref<!tpu.dma_semaphore, #tpu.memory_space<semaphore_mem>>)
    %scan3A_43 = arith.constant 0 : i32
    %scan3A_44 = arith.constant 0 : i32
    %scan3A_45 = arith.constant 41 : i32
    %scan3A_46 = arith.addi %scan3A_44, %scan3A_45 : i32
    %scan3A_47 = arith.constant 1 : i32
    scf.for %scan3A_151 = %scan3A_44 to %scan3A_46 step %scan3A_47  : i32 {
      %mul3A_152 = arith.constant 4 : i32
      %mul3A_153 = arith.muli %scan3A_151, %mul3A_152 : i32
      %add3A_154 = arith.constant 0 : i32
      %add3A_155 = arith.addi %mul3A_153, %add3A_154 : i32
      %ge3A = arith.constant 1 : i32
      %ge3A_156 = arith.cmpi sge, %scan3A_151, %ge3A : i32
      %convert_element_type3A = arith.extui %ge3A_156 : i1 to i32
      %cond3A = arith.constant 0 : i32
      %cond3A_157 = arith.cmpi ne, %convert_element_type3A, %cond3A : i32
      scf.if %cond3A_157 {
        %sub3A_281 = arith.constant 1 : i32
        %sub3A_282 = arith.subi %add3A_155, %sub3A_281 : i32
        %dma_wait3A_283 = arith.constant 0 : i32
        %dma_wait3A_284 = tpu.memref_slice %arg7[%sub3A_282, %dma_wait3A_283] : memref<168x128xi32, #tpu.memory_space<vmem>> -> memref<1x128xi32, #tpu.memory_space<vmem>>
        %dma_wait3A_285 = tpu.memref_squeeze %dma_wait3A_284 : memref<1x128xi32, #tpu.memory_space<vmem>> -> memref<128xi32, #tpu.memory_space<vmem>>
        %dma_wait3A_286 = arith.constant 0 : i32
        %dma_wait3A_287 = arith.constant 0 : i32
        %dma_wait3A_288 = tpu.memref_slice %arg12[%dma_wait3A_286, %dma_wait3A_287] : memref<10240x64xf32, #tpu.memory_space<vmem_shared>> -> memref<10240x64xf32, #tpu.memory_space<vmem_shared>>
        tpu.wait_indirect_dma semaphore(%arg17 : memref<!tpu.dma_semaphore, #tpu.memory_space<semaphore_mem>>) src(%arg8 : memref<128x64xf32, #tpu.memory_space<vmem>>) dst(%dma_wait3A_288 : memref<10240x64xf32, #tpu.memory_space<vmem_shared>>)
      } else {
      }
      %add3A_158 = arith.constant 4 : i32
      %add3A_159 = arith.addi %add3A_155, %add3A_158 : i32
      %sub3A = arith.constant 1 : i32
      %sub3A_160 = arith.subi %add3A_159, %sub3A : i32
      %dma_start3A_161 = arith.constant 0 : i32
      %dma_start3A_162 = tpu.memref_slice %arg6[%sub3A_160, %dma_start3A_161] : memref<168x128xi32, #tpu.memory_space<vmem>> -> memref<1x128xi32, #tpu.memory_space<vmem>>
      %dma_start3A_163 = tpu.memref_squeeze %dma_start3A_162 : memref<1x128xi32, #tpu.memory_space<vmem>> -> memref<128xi32, #tpu.memory_space<vmem>>
      %dma_start3A_164 = arith.constant 0 : i32
      %dma_start3A_165 = arith.constant 0 : i32
      %dma_start3A_166 = tpu.memref_slice %arg4[%dma_start3A_164, %dma_start3A_165] : memref<20480x64xf32, #tpu.memory_space<hbm>> -> memref<20480x64xf32, #tpu.memory_space<hbm>>
      tpu.enqueue_indirect_dma source(%dma_start3A_166 : memref<20480x64xf32, #tpu.memory_space<hbm>>) target(%arg11 : memref<128x64xf32, #tpu.memory_space<vmem>>) offsets(%dma_start3A_163 : memref<128xi32, #tpu.memory_space<vmem>>) semaphore(%arg16 : memref<!tpu.dma_semaphore, #tpu.memory_space<semaphore_mem>>)
      %dma_wait3A_167 = arith.constant 0 : i32
      %dma_wait3A_168 = tpu.memref_slice %arg6[%add3A_155, %dma_wait3A_167] : memref<168x128xi32, #tpu.memory_space<vmem>> -> memref<1x128xi32, #tpu.memory_space<vmem>>
      %dma_wait3A_169 = tpu.memref_squeeze %dma_wait3A_168 : memref<1x128xi32, #tpu.memory_space<vmem>> -> memref<128xi32, #tpu.memory_space<vmem>>
      %dma_wait3A_170 = arith.constant 0 : i32
      %dma_wait3A_171 = arith.constant 0 : i32
      %dma_wait3A_172 = tpu.memref_slice %arg4[%dma_wait3A_170, %dma_wait3A_171] : memref<20480x64xf32, #tpu.memory_space<hbm>> -> memref<20480x64xf32, #tpu.memory_space<hbm>>
      tpu.wait_indirect_dma semaphore(%arg13 : memref<!tpu.dma_semaphore, #tpu.memory_space<semaphore_mem>>) src(%dma_wait3A_172 : memref<20480x64xf32, #tpu.memory_space<hbm>>) dst(%arg8 : memref<128x64xf32, #tpu.memory_space<vmem>>)
      %dma_start3A_173 = arith.constant 0 : i32
      %dma_start3A_174 = tpu.memref_slice %arg7[%add3A_155, %dma_start3A_173] : memref<168x128xi32, #tpu.memory_space<vmem>> -> memref<1x128xi32, #tpu.memory_space<vmem>>
      %dma_start3A_175 = tpu.memref_squeeze %dma_start3A_174 : memref<1x128xi32, #tpu.memory_space<vmem>> -> memref<128xi32, #tpu.memory_space<vmem>>
      %dma_start3A_176 = arith.constant 0 : i32
      %dma_start3A_177 = arith.constant 0 : i32
      %dma_start3A_178 = tpu.memref_slice %arg12[%dma_start3A_176, %dma_start3A_177] : memref<10240x64xf32, #tpu.memory_space<vmem_shared>> -> memref<10240x64xf32, #tpu.memory_space<vmem_shared>>
      tpu.enqueue_indirect_dma source(%arg8 : memref<128x64xf32, #tpu.memory_space<vmem>>) target(%dma_start3A_178 : memref<10240x64xf32, #tpu.memory_space<vmem_shared>>) offsets(%dma_start3A_175 : memref<128xi32, #tpu.memory_space<vmem>>) semaphore(%arg17 : memref<!tpu.dma_semaphore, #tpu.memory_space<semaphore_mem>>) {add = true}
      %mul3A_179 = arith.constant 4 : i32
      %mul3A_180 = arith.muli %scan3A_151, %mul3A_179 : i32
      %add3A_181 = arith.constant 1 : i32
      %add3A_182 = arith.addi %mul3A_180, %add3A_181 : i32
      %sub3A_183 = arith.constant 1 : i32
      %sub3A_184 = arith.subi %add3A_182, %sub3A_183 : i32
      %dma_wait3A_185 = arith.constant 0 : i32
      %dma_wait3A_186 = tpu.memref_slice %arg7[%sub3A_184, %dma_wait3A_185] : memref<168x128xi32, #tpu.memory_space<vmem>> -> memref<1x128xi32, #tpu.memory_space<vmem>>
      %dma_wait3A_187 = tpu.memref_squeeze %dma_wait3A_186 : memref<1x128xi32, #tpu.memory_space<vmem>> -> memref<128xi32, #tpu.memory_space<vmem>>
      %dma_wait3A_188 = arith.constant 0 : i32
      %dma_wait3A_189 = arith.constant 0 : i32
      %dma_wait3A_190 = tpu.memref_slice %arg12[%dma_wait3A_188, %dma_wait3A_189] : memref<10240x64xf32, #tpu.memory_space<vmem_shared>> -> memref<10240x64xf32, #tpu.memory_space<vmem_shared>>
      tpu.wait_indirect_dma semaphore(%arg17 : memref<!tpu.dma_semaphore, #tpu.memory_space<semaphore_mem>>) src(%arg8 : memref<128x64xf32, #tpu.memory_space<vmem>>) dst(%dma_wait3A_190 : memref<10240x64xf32, #tpu.memory_space<vmem_shared>>)
      %add3A_191 = arith.constant 4 : i32
      %add3A_192 = arith.addi %add3A_182, %add3A_191 : i32
      %sub3A_193 = arith.constant 1 : i32
      %sub3A_194 = arith.subi %add3A_192, %sub3A_193 : i32
      %dma_start3A_195 = arith.constant 0 : i32
      %dma_start3A_196 = tpu.memref_slice %arg6[%sub3A_194, %dma_start3A_195] : memref<168x128xi32, #tpu.memory_space<vmem>> -> memref<1x128xi32, #tpu.memory_space<vmem>>
      %dma_start3A_197 = tpu.memref_squeeze %dma_start3A_196 : memref<1x128xi32, #tpu.memory_space<vmem>> -> memref<128xi32, #tpu.memory_space<vmem>>
      %dma_start3A_198 = arith.constant 0 : i32
      %dma_start3A_199 = arith.constant 0 : i32
      %dma_start3A_200 = tpu.memref_slice %arg4[%dma_start3A_198, %dma_start3A_199] : memref<20480x64xf32, #tpu.memory_space<hbm>> -> memref<20480x64xf32, #tpu.memory_space<hbm>>
      tpu.enqueue_indirect_dma source(%dma_start3A_200 : memref<20480x64xf32, #tpu.memory_space<hbm>>) target(%arg8 : memref<128x64xf32, #tpu.memory_space<vmem>>) offsets(%dma_start3A_197 : memref<128xi32, #tpu.memory_space<vmem>>) semaphore(%arg13 : memref<!tpu.dma_semaphore, #tpu.memory_space<semaphore_mem>>)
      %dma_wait3A_201 = arith.constant 0 : i32
      %dma_wait3A_202 = tpu.memref_slice %arg6[%add3A_182, %dma_wait3A_201] : memref<168x128xi32, #tpu.memory_space<vmem>> -> memref<1x128xi32, #tpu.memory_space<vmem>>
      %dma_wait3A_203 = tpu.memref_squeeze %dma_wait3A_202 : memref<1x128xi32, #tpu.memory_space<vmem>> -> memref<128xi32, #tpu.memory_space<vmem>>
      %dma_wait3A_204 = arith.constant 0 : i32
      %dma_wait3A_205 = arith.constant 0 : i32
      %dma_wait3A_206 = tpu.memref_slice %arg4[%dma_wait3A_204, %dma_wait3A_205] : memref<20480x64xf32, #tpu.memory_space<hbm>> -> memref<20480x64xf32, #tpu.memory_space<hbm>>
      tpu.wait_indirect_dma semaphore(%arg14 : memref<!tpu.dma_semaphore, #tpu.memory_space<semaphore_mem>>) src(%dma_wait3A_206 : memref<20480x64xf32, #tpu.memory_space<hbm>>) dst(%arg9 : memref<128x64xf32, #tpu.memory_space<vmem>>)
      %dma_start3A_207 = arith.constant 0 : i32
      %dma_start3A_208 = tpu.memref_slice %arg7[%add3A_182, %dma_start3A_207] : memref<168x128xi32, #tpu.memory_space<vmem>> -> memref<1x128xi32, #tpu.memory_space<vmem>>
      %dma_start3A_209 = tpu.memref_squeeze %dma_start3A_208 : memref<1x128xi32, #tpu.memory_space<vmem>> -> memref<128xi32, #tpu.memory_space<vmem>>
      %dma_start3A_210 = arith.constant 0 : i32
      %dma_start3A_211 = arith.constant 0 : i32
      %dma_start3A_212 = tpu.memref_slice %arg12[%dma_start3A_210, %dma_start3A_211] : memref<10240x64xf32, #tpu.memory_space<vmem_shared>> -> memref<10240x64xf32, #tpu.memory_space<vmem_shared>>
      tpu.enqueue_indirect_dma source(%arg9 : memref<128x64xf32, #tpu.memory_space<vmem>>) target(%dma_start3A_212 : memref<10240x64xf32, #tpu.memory_space<vmem_shared>>) offsets(%dma_start3A_209 : memref<128xi32, #tpu.memory_space<vmem>>) semaphore(%arg17 : memref<!tpu.dma_semaphore, #tpu.memory_space<semaphore_mem>>) {add = true}
      %mul3A_213 = arith.constant 4 : i32
      %mul3A_214 = arith.muli %scan3A_151, %mul3A_213 : i32
      %add3A_215 = arith.constant 2 : i32
      %add3A_216 = arith.addi %mul3A_214, %add3A_215 : i32
      %sub3A_217 = arith.constant 1 : i32
      %sub3A_218 = arith.subi %add3A_216, %sub3A_217 : i32
      %dma_wait3A_219 = arith.constant 0 : i32
      %dma_wait3A_220 = tpu.memref_slice %arg7[%sub3A_218, %dma_wait3A_219] : memref<168x128xi32, #tpu.memory_space<vmem>> -> memref<1x128xi32, #tpu.memory_space<vmem>>
      %dma_wait3A_221 = tpu.memref_squeeze %dma_wait3A_220 : memref<1x128xi32, #tpu.memory_space<vmem>> -> memref<128xi32, #tpu.memory_space<vmem>>
      %dma_wait3A_222 = arith.constant 0 : i32
      %dma_wait3A_223 = arith.constant 0 : i32
      %dma_wait3A_224 = tpu.memref_slice %arg12[%dma_wait3A_222, %dma_wait3A_223] : memref<10240x64xf32, #tpu.memory_space<vmem_shared>> -> memref<10240x64xf32, #tpu.memory_space<vmem_shared>>
      tpu.wait_indirect_dma semaphore(%arg17 : memref<!tpu.dma_semaphore, #tpu.memory_space<semaphore_mem>>) src(%arg8 : memref<128x64xf32, #tpu.memory_space<vmem>>) dst(%dma_wait3A_224 : memref<10240x64xf32, #tpu.memory_space<vmem_shared>>)
      %add3A_225 = arith.constant 4 : i32
      %add3A_226 = arith.addi %add3A_216, %add3A_225 : i32
      %sub3A_227 = arith.constant 1 : i32
      %sub3A_228 = arith.subi %add3A_226, %sub3A_227 : i32
      %dma_start3A_229 = arith.constant 0 : i32
      %dma_start3A_230 = tpu.memref_slice %arg6[%sub3A_228, %dma_start3A_229] : memref<168x128xi32, #tpu.memory_space<vmem>> -> memref<1x128xi32, #tpu.memory_space<vmem>>
      %dma_start3A_231 = tpu.memref_squeeze %dma_start3A_230 : memref<1x128xi32, #tpu.memory_space<vmem>> -> memref<128xi32, #tpu.memory_space<vmem>>
      %dma_start3A_232 = arith.constant 0 : i32
      %dma_start3A_233 = arith.constant 0 : i32
      %dma_start3A_234 = tpu.memref_slice %arg4[%dma_start3A_232, %dma_start3A_233] : memref<20480x64xf32, #tpu.memory_space<hbm>> -> memref<20480x64xf32, #tpu.memory_space<hbm>>
      tpu.enqueue_indirect_dma source(%dma_start3A_234 : memref<20480x64xf32, #tpu.memory_space<hbm>>) target(%arg9 : memref<128x64xf32, #tpu.memory_space<vmem>>) offsets(%dma_start3A_231 : memref<128xi32, #tpu.memory_space<vmem>>) semaphore(%arg14 : memref<!tpu.dma_semaphore, #tpu.memory_space<semaphore_mem>>)
      %dma_wait3A_235 = arith.constant 0 : i32
      %dma_wait3A_236 = tpu.memref_slice %arg6[%add3A_216, %dma_wait3A_235] : memref<168x128xi32, #tpu.memory_space<vmem>> -> memref<1x128xi32, #tpu.memory_space<vmem>>
      %dma_wait3A_237 = tpu.memref_squeeze %dma_wait3A_236 : memref<1x128xi32, #tpu.memory_space<vmem>> -> memref<128xi32, #tpu.memory_space<vmem>>
      %dma_wait3A_238 = arith.constant 0 : i32
      %dma_wait3A_239 = arith.constant 0 : i32
      %dma_wait3A_240 = tpu.memref_slice %arg4[%dma_wait3A_238, %dma_wait3A_239] : memref<20480x64xf32, #tpu.memory_space<hbm>> -> memref<20480x64xf32, #tpu.memory_space<hbm>>
      tpu.wait_indirect_dma semaphore(%arg15 : memref<!tpu.dma_semaphore, #tpu.memory_space<semaphore_mem>>) src(%dma_wait3A_240 : memref<20480x64xf32, #tpu.memory_space<hbm>>) dst(%arg10 : memref<128x64xf32, #tpu.memory_space<vmem>>)
      %dma_start3A_241 = arith.constant 0 : i32
      %dma_start3A_242 = tpu.memref_slice %arg7[%add3A_216, %dma_start3A_241] : memref<168x128xi32, #tpu.memory_space<vmem>> -> memref<1x128xi32, #tpu.memory_space<vmem>>
      %dma_start3A_243 = tpu.memref_squeeze %dma_start3A_242 : memref<1x128xi32, #tpu.memory_space<vmem>> -> memref<128xi32, #tpu.memory_space<vmem>>
      %dma_start3A_244 = arith.constant 0 : i32
      %dma_start3A_245 = arith.constant 0 : i32
      %dma_start3A_246 = tpu.memref_slice %arg12[%dma_start3A_244, %dma_start3A_245] : memref<10240x64xf32, #tpu.memory_space<vmem_shared>> -> memref<10240x64xf32, #tpu.memory_space<vmem_shared>>
      tpu.enqueue_indirect_dma source(%arg10 : memref<128x64xf32, #tpu.memory_space<vmem>>) target(%dma_start3A_246 : memref<10240x64xf32, #tpu.memory_space<vmem_shared>>) offsets(%dma_start3A_243 : memref<128xi32, #tpu.memory_space<vmem>>) semaphore(%arg17 : memref<!tpu.dma_semaphore, #tpu.memory_space<semaphore_mem>>) {add = true}
      %mul3A_247 = arith.constant 4 : i32
      %mul3A_248 = arith.muli %scan3A_151, %mul3A_247 : i32
      %add3A_249 = arith.constant 3 : i32
      %add3A_250 = arith.addi %mul3A_248, %add3A_249 : i32
      %sub3A_251 = arith.constant 1 : i32
      %sub3A_252 = arith.subi %add3A_250, %sub3A_251 : i32
      %dma_wait3A_253 = arith.constant 0 : i32
      %dma_wait3A_254 = tpu.memref_slice %arg7[%sub3A_252, %dma_wait3A_253] : memref<168x128xi32, #tpu.memory_space<vmem>> -> memref<1x128xi32, #tpu.memory_space<vmem>>
      %dma_wait3A_255 = tpu.memref_squeeze %dma_wait3A_254 : memref<1x128xi32, #tpu.memory_space<vmem>> -> memref<128xi32, #tpu.memory_space<vmem>>
      %dma_wait3A_256 = arith.constant 0 : i32
      %dma_wait3A_257 = arith.constant 0 : i32
      %dma_wait3A_258 = tpu.memref_slice %arg12[%dma_wait3A_256, %dma_wait3A_257] : memref<10240x64xf32, #tpu.memory_space<vmem_shared>> -> memref<10240x64xf32, #tpu.memory_space<vmem_shared>>
      tpu.wait_indirect_dma semaphore(%arg17 : memref<!tpu.dma_semaphore, #tpu.memory_space<semaphore_mem>>) src(%arg8 : memref<128x64xf32, #tpu.memory_space<vmem>>) dst(%dma_wait3A_258 : memref<10240x64xf32, #tpu.memory_space<vmem_shared>>)
      %add3A_259 = arith.constant 4 : i32
      %add3A_260 = arith.addi %add3A_250, %add3A_259 : i32
      %sub3A_261 = arith.constant 1 : i32
      %sub3A_262 = arith.subi %add3A_260, %sub3A_261 : i32
      %dma_start3A_263 = arith.constant 0 : i32
      %dma_start3A_264 = tpu.memref_slice %arg6[%sub3A_262, %dma_start3A_263] : memref<168x128xi32, #tpu.memory_space<vmem>> -> memref<1x128xi32, #tpu.memory_space<vmem>>
      %dma_start3A_265 = tpu.memref_squeeze %dma_start3A_264 : memref<1x128xi32, #tpu.memory_space<vmem>> -> memref<128xi32, #tpu.memory_space<vmem>>
      %dma_start3A_266 = arith.constant 0 : i32
      %dma_start3A_267 = arith.constant 0 : i32
      %dma_start3A_268 = tpu.memref_slice %arg4[%dma_start3A_266, %dma_start3A_267] : memref<20480x64xf32, #tpu.memory_space<hbm>> -> memref<20480x64xf32, #tpu.memory_space<hbm>>
      tpu.enqueue_indirect_dma source(%dma_start3A_268 : memref<20480x64xf32, #tpu.memory_space<hbm>>) target(%arg10 : memref<128x64xf32, #tpu.memory_space<vmem>>) offsets(%dma_start3A_265 : memref<128xi32, #tpu.memory_space<vmem>>) semaphore(%arg15 : memref<!tpu.dma_semaphore, #tpu.memory_space<semaphore_mem>>)
      %dma_wait3A_269 = arith.constant 0 : i32
      %dma_wait3A_270 = tpu.memref_slice %arg6[%add3A_250, %dma_wait3A_269] : memref<168x128xi32, #tpu.memory_space<vmem>> -> memref<1x128xi32, #tpu.memory_space<vmem>>
      %dma_wait3A_271 = tpu.memref_squeeze %dma_wait3A_270 : memref<1x128xi32, #tpu.memory_space<vmem>> -> memref<128xi32, #tpu.memory_space<vmem>>
      %dma_wait3A_272 = arith.constant 0 : i32
      %dma_wait3A_273 = arith.constant 0 : i32
      %dma_wait3A_274 = tpu.memref_slice %arg4[%dma_wait3A_272, %dma_wait3A_273] : memref<20480x64xf32, #tpu.memory_space<hbm>> -> memref<20480x64xf32, #tpu.memory_space<hbm>>
      tpu.wait_indirect_dma semaphore(%arg16 : memref<!tpu.dma_semaphore, #tpu.memory_space<semaphore_mem>>) src(%dma_wait3A_274 : memref<20480x64xf32, #tpu.memory_space<hbm>>) dst(%arg11 : memref<128x64xf32, #tpu.memory_space<vmem>>)
      %dma_start3A_275 = arith.constant 0 : i32
      %dma_start3A_276 = tpu.memref_slice %arg7[%add3A_250, %dma_start3A_275] : memref<168x128xi32, #tpu.memory_space<vmem>> -> memref<1x128xi32, #tpu.memory_space<vmem>>
      %dma_start3A_277 = tpu.memref_squeeze %dma_start3A_276 : memref<1x128xi32, #tpu.memory_space<vmem>> -> memref<128xi32, #tpu.memory_space<vmem>>
      %dma_start3A_278 = arith.constant 0 : i32
      %dma_start3A_279 = arith.constant 0 : i32
      %dma_start3A_280 = tpu.memref_slice %arg12[%dma_start3A_278, %dma_start3A_279] : memref<10240x64xf32, #tpu.memory_space<vmem_shared>> -> memref<10240x64xf32, #tpu.memory_space<vmem_shared>>
      tpu.enqueue_indirect_dma source(%arg11 : memref<128x64xf32, #tpu.memory_space<vmem>>) target(%dma_start3A_280 : memref<10240x64xf32, #tpu.memory_space<vmem_shared>>) offsets(%dma_start3A_277 : memref<128xi32, #tpu.memory_space<vmem>>) semaphore(%arg17 : memref<!tpu.dma_semaphore, #tpu.memory_space<semaphore_mem>>) {add = true}
    }
    %scan3A_48 = arith.constant 41 : i32
    %dma_wait3A = arith.constant 163 : i32
    %dma_wait3A_49 = arith.constant 0 : i32
    %dma_wait3A_50 = tpu.memref_slice %arg7[%dma_wait3A, %dma_wait3A_49] : memref<168x128xi32, #tpu.memory_space<vmem>> -> memref<1x128xi32, #tpu.memory_space<vmem>>
    %dma_wait3A_51 = tpu.memref_squeeze %dma_wait3A_50 : memref<1x128xi32, #tpu.memory_space<vmem>> -> memref<128xi32, #tpu.memory_space<vmem>>
    %dma_wait3A_52 = arith.constant 0 : i32
    %dma_wait3A_53 = arith.constant 0 : i32
    %dma_wait3A_54 = tpu.memref_slice %arg12[%dma_wait3A_52, %dma_wait3A_53] : memref<10240x64xf32, #tpu.memory_space<vmem_shared>> -> memref<10240x64xf32, #tpu.memory_space<vmem_shared>>
    tpu.wait_indirect_dma semaphore(%arg17 : memref<!tpu.dma_semaphore, #tpu.memory_space<semaphore_mem>>) src(%arg8 : memref<128x64xf32, #tpu.memory_space<vmem>>) dst(%dma_wait3A_54 : memref<10240x64xf32, #tpu.memory_space<vmem_shared>>)
    %dma_start3A_55 = arith.constant 167 : i32
    %dma_start3A_56 = arith.constant 0 : i32
    %dma_start3A_57 = tpu.memref_slice %arg6[%dma_start3A_55, %dma_start3A_56] : memref<168x128xi32, #tpu.memory_space<vmem>> -> memref<1x128xi32, #tpu.memory_space<vmem>>
    %dma_start3A_58 = tpu.memref_squeeze %dma_start3A_57 : memref<1x128xi32, #tpu.memory_space<vmem>> -> memref<128xi32, #tpu.memory_space<vmem>>
    %dma_start3A_59 = arith.constant 0 : i32
    %dma_start3A_60 = arith.constant 0 : i32
    %dma_start3A_61 = tpu.memref_slice %arg4[%dma_start3A_59, %dma_start3A_60] : memref<20480x64xf32, #tpu.memory_space<hbm>> -> memref<20480x64xf32, #tpu.memory_space<hbm>>
    tpu.enqueue_indirect_dma source(%dma_start3A_61 : memref<20480x64xf32, #tpu.memory_space<hbm>>) target(%arg11 : memref<128x64xf32, #tpu.memory_space<vmem>>) offsets(%dma_start3A_58 : memref<128xi32, #tpu.memory_space<vmem>>) semaphore(%arg16 : memref<!tpu.dma_semaphore, #tpu.memory_space<semaphore_mem>>)
    %dma_wait3A_62 = arith.constant 164 : i32
    %dma_wait3A_63 = arith.constant 0 : i32
    %dma_wait3A_64 = tpu.memref_slice %arg6[%dma_wait3A_62, %dma_wait3A_63] : memref<168x128xi32, #tpu.memory_space<vmem>> -> memref<1x128xi32, #tpu.memory_space<vmem>>
    %dma_wait3A_65 = tpu.memref_squeeze %dma_wait3A_64 : memref<1x128xi32, #tpu.memory_space<vmem>> -> memref<128xi32, #tpu.memory_space<vmem>>
    %dma_wait3A_66 = arith.constant 0 : i32
    %dma_wait3A_67 = arith.constant 0 : i32
    %dma_wait3A_68 = tpu.memref_slice %arg4[%dma_wait3A_66, %dma_wait3A_67] : memref<20480x64xf32, #tpu.memory_space<hbm>> -> memref<20480x64xf32, #tpu.memory_space<hbm>>
    tpu.wait_indirect_dma semaphore(%arg13 : memref<!tpu.dma_semaphore, #tpu.memory_space<semaphore_mem>>) src(%dma_wait3A_68 : memref<20480x64xf32, #tpu.memory_space<hbm>>) dst(%arg8 : memref<128x64xf32, #tpu.memory_space<vmem>>)
    %dma_start3A_69 = arith.constant 164 : i32
    %dma_start3A_70 = arith.constant 0 : i32
    %dma_start3A_71 = tpu.memref_slice %arg7[%dma_start3A_69, %dma_start3A_70] : memref<168x128xi32, #tpu.memory_space<vmem>> -> memref<1x128xi32, #tpu.memory_space<vmem>>
    %dma_start3A_72 = tpu.memref_squeeze %dma_start3A_71 : memref<1x128xi32, #tpu.memory_space<vmem>> -> memref<128xi32, #tpu.memory_space<vmem>>
    %dma_start3A_73 = arith.constant 0 : i32
    %dma_start3A_74 = arith.constant 0 : i32
    %dma_start3A_75 = tpu.memref_slice %arg12[%dma_start3A_73, %dma_start3A_74] : memref<10240x64xf32, #tpu.memory_space<vmem_shared>> -> memref<10240x64xf32, #tpu.memory_space<vmem_shared>>
    tpu.enqueue_indirect_dma source(%arg8 : memref<128x64xf32, #tpu.memory_space<vmem>>) target(%dma_start3A_75 : memref<10240x64xf32, #tpu.memory_space<vmem_shared>>) offsets(%dma_start3A_72 : memref<128xi32, #tpu.memory_space<vmem>>) semaphore(%arg17 : memref<!tpu.dma_semaphore, #tpu.memory_space<semaphore_mem>>) {add = true}
    %dma_wait3A_76 = arith.constant 164 : i32
    %dma_wait3A_77 = arith.constant 0 : i32
    %dma_wait3A_78 = tpu.memref_slice %arg7[%dma_wait3A_76, %dma_wait3A_77] : memref<168x128xi32, #tpu.memory_space<vmem>> -> memref<1x128xi32, #tpu.memory_space<vmem>>
    %dma_wait3A_79 = tpu.memref_squeeze %dma_wait3A_78 : memref<1x128xi32, #tpu.memory_space<vmem>> -> memref<128xi32, #tpu.memory_space<vmem>>
    %dma_wait3A_80 = arith.constant 0 : i32
    %dma_wait3A_81 = arith.constant 0 : i32
    %dma_wait3A_82 = tpu.memref_slice %arg12[%dma_wait3A_80, %dma_wait3A_81] : memref<10240x64xf32, #tpu.memory_space<vmem_shared>> -> memref<10240x64xf32, #tpu.memory_space<vmem_shared>>
    tpu.wait_indirect_dma semaphore(%arg17 : memref<!tpu.dma_semaphore, #tpu.memory_space<semaphore_mem>>) src(%arg8 : memref<128x64xf32, #tpu.memory_space<vmem>>) dst(%dma_wait3A_82 : memref<10240x64xf32, #tpu.memory_space<vmem_shared>>)
    %dma_wait3A_83 = arith.constant 165 : i32
    %dma_wait3A_84 = arith.constant 0 : i32
    %dma_wait3A_85 = tpu.memref_slice %arg6[%dma_wait3A_83, %dma_wait3A_84] : memref<168x128xi32, #tpu.memory_space<vmem>> -> memref<1x128xi32, #tpu.memory_space<vmem>>
    %dma_wait3A_86 = tpu.memref_squeeze %dma_wait3A_85 : memref<1x128xi32, #tpu.memory_space<vmem>> -> memref<128xi32, #tpu.memory_space<vmem>>
    %dma_wait3A_87 = arith.constant 0 : i32
    %dma_wait3A_88 = arith.constant 0 : i32
    %dma_wait3A_89 = tpu.memref_slice %arg4[%dma_wait3A_87, %dma_wait3A_88] : memref<20480x64xf32, #tpu.memory_space<hbm>> -> memref<20480x64xf32, #tpu.memory_space<hbm>>
    tpu.wait_indirect_dma semaphore(%arg14 : memref<!tpu.dma_semaphore, #tpu.memory_space<semaphore_mem>>) src(%dma_wait3A_89 : memref<20480x64xf32, #tpu.memory_space<hbm>>) dst(%arg9 : memref<128x64xf32, #tpu.memory_space<vmem>>)
    %dma_start3A_90 = arith.constant 165 : i32
    %dma_start3A_91 = arith.constant 0 : i32
    %dma_start3A_92 = tpu.memref_slice %arg7[%dma_start3A_90, %dma_start3A_91] : memref<168x128xi32, #tpu.memory_space<vmem>> -> memref<1x128xi32, #tpu.memory_space<vmem>>
    %dma_start3A_93 = tpu.memref_squeeze %dma_start3A_92 : memref<1x128xi32, #tpu.memory_space<vmem>> -> memref<128xi32, #tpu.memory_space<vmem>>
    %dma_start3A_94 = arith.constant 0 : i32
    %dma_start3A_95 = arith.constant 0 : i32
    %dma_start3A_96 = tpu.memref_slice %arg12[%dma_start3A_94, %dma_start3A_95] : memref<10240x64xf32, #tpu.memory_space<vmem_shared>> -> memref<10240x64xf32, #tpu.memory_space<vmem_shared>>
    tpu.enqueue_indirect_dma source(%arg9 : memref<128x64xf32, #tpu.memory_space<vmem>>) target(%dma_start3A_96 : memref<10240x64xf32, #tpu.memory_space<vmem_shared>>) offsets(%dma_start3A_93 : memref<128xi32, #tpu.memory_space<vmem>>) semaphore(%arg17 : memref<!tpu.dma_semaphore, #tpu.memory_space<semaphore_mem>>) {add = true}
    %dma_wait3A_97 = arith.constant 165 : i32
    %dma_wait3A_98 = arith.constant 0 : i32
    %dma_wait3A_99 = tpu.memref_slice %arg7[%dma_wait3A_97, %dma_wait3A_98] : memref<168x128xi32, #tpu.memory_space<vmem>> -> memref<1x128xi32, #tpu.memory_space<vmem>>
    %dma_wait3A_100 = tpu.memref_squeeze %dma_wait3A_99 : memref<1x128xi32, #tpu.memory_space<vmem>> -> memref<128xi32, #tpu.memory_space<vmem>>
    %dma_wait3A_101 = arith.constant 0 : i32
    %dma_wait3A_102 = arith.constant 0 : i32
    %dma_wait3A_103 = tpu.memref_slice %arg12[%dma_wait3A_101, %dma_wait3A_102] : memref<10240x64xf32, #tpu.memory_space<vmem_shared>> -> memref<10240x64xf32, #tpu.memory_space<vmem_shared>>
    tpu.wait_indirect_dma semaphore(%arg17 : memref<!tpu.dma_semaphore, #tpu.memory_space<semaphore_mem>>) src(%arg8 : memref<128x64xf32, #tpu.memory_space<vmem>>) dst(%dma_wait3A_103 : memref<10240x64xf32, #tpu.memory_space<vmem_shared>>)
    %dma_wait3A_104 = arith.constant 166 : i32
    %dma_wait3A_105 = arith.constant 0 : i32
    %dma_wait3A_106 = tpu.memref_slice %arg6[%dma_wait3A_104, %dma_wait3A_105] : memref<168x128xi32, #tpu.memory_space<vmem>> -> memref<1x128xi32, #tpu.memory_space<vmem>>
    %dma_wait3A_107 = tpu.memref_squeeze %dma_wait3A_106 : memref<1x128xi32, #tpu.memory_space<vmem>> -> memref<128xi32, #tpu.memory_space<vmem>>
    %dma_wait3A_108 = arith.constant 0 : i32
    %dma_wait3A_109 = arith.constant 0 : i32
    %dma_wait3A_110 = tpu.memref_slice %arg4[%dma_wait3A_108, %dma_wait3A_109] : memref<20480x64xf32, #tpu.memory_space<hbm>> -> memref<20480x64xf32, #tpu.memory_space<hbm>>
    tpu.wait_indirect_dma semaphore(%arg15 : memref<!tpu.dma_semaphore, #tpu.memory_space<semaphore_mem>>) src(%dma_wait3A_110 : memref<20480x64xf32, #tpu.memory_space<hbm>>) dst(%arg10 : memref<128x64xf32, #tpu.memory_space<vmem>>)
    %dma_start3A_111 = arith.constant 166 : i32
    %dma_start3A_112 = arith.constant 0 : i32
    %dma_start3A_113 = tpu.memref_slice %arg7[%dma_start3A_111, %dma_start3A_112] : memref<168x128xi32, #tpu.memory_space<vmem>> -> memref<1x128xi32, #tpu.memory_space<vmem>>
    %dma_start3A_114 = tpu.memref_squeeze %dma_start3A_113 : memref<1x128xi32, #tpu.memory_space<vmem>> -> memref<128xi32, #tpu.memory_space<vmem>>
    %dma_start3A_115 = arith.constant 0 : i32
    %dma_start3A_116 = arith.constant 0 : i32
    %dma_start3A_117 = tpu.memref_slice %arg12[%dma_start3A_115, %dma_start3A_116] : memref<10240x64xf32, #tpu.memory_space<vmem_shared>> -> memref<10240x64xf32, #tpu.memory_space<vmem_shared>>
    tpu.enqueue_indirect_dma source(%arg10 : memref<128x64xf32, #tpu.memory_space<vmem>>) target(%dma_start3A_117 : memref<10240x64xf32, #tpu.memory_space<vmem_shared>>) offsets(%dma_start3A_114 : memref<128xi32, #tpu.memory_space<vmem>>) semaphore(%arg17 : memref<!tpu.dma_semaphore, #tpu.memory_space<semaphore_mem>>) {add = true}
    %dma_wait3A_118 = arith.constant 166 : i32
    %dma_wait3A_119 = arith.constant 0 : i32
    %dma_wait3A_120 = tpu.memref_slice %arg7[%dma_wait3A_118, %dma_wait3A_119] : memref<168x128xi32, #tpu.memory_space<vmem>> -> memref<1x128xi32, #tpu.memory_space<vmem>>
    %dma_wait3A_121 = tpu.memref_squeeze %dma_wait3A_120 : memref<1x128xi32, #tpu.memory_space<vmem>> -> memref<128xi32, #tpu.memory_space<vmem>>
    %dma_wait3A_122 = arith.constant 0 : i32
    %dma_wait3A_123 = arith.constant 0 : i32
    %dma_wait3A_124 = tpu.memref_slice %arg12[%dma_wait3A_122, %dma_wait3A_123] : memref<10240x64xf32, #tpu.memory_space<vmem_shared>> -> memref<10240x64xf32, #tpu.memory_space<vmem_shared>>
    tpu.wait_indirect_dma semaphore(%arg17 : memref<!tpu.dma_semaphore, #tpu.memory_space<semaphore_mem>>) src(%arg8 : memref<128x64xf32, #tpu.memory_space<vmem>>) dst(%dma_wait3A_124 : memref<10240x64xf32, #tpu.memory_space<vmem_shared>>)
    %dma_wait3A_125 = arith.constant 167 : i32
    %dma_wait3A_126 = arith.constant 0 : i32
    %dma_wait3A_127 = tpu.memref_slice %arg6[%dma_wait3A_125, %dma_wait3A_126] : memref<168x128xi32, #tpu.memory_space<vmem>> -> memref<1x128xi32, #tpu.memory_space<vmem>>
    %dma_wait3A_128 = tpu.memref_squeeze %dma_wait3A_127 : memref<1x128xi32, #tpu.memory_space<vmem>> -> memref<128xi32, #tpu.memory_space<vmem>>
    %dma_wait3A_129 = arith.constant 0 : i32
    %dma_wait3A_130 = arith.constant 0 : i32
    %dma_wait3A_131 = tpu.memref_slice %arg4[%dma_wait3A_129, %dma_wait3A_130] : memref<20480x64xf32, #tpu.memory_space<hbm>> -> memref<20480x64xf32, #tpu.memory_space<hbm>>
    tpu.wait_indirect_dma semaphore(%arg16 : memref<!tpu.dma_semaphore, #tpu.memory_space<semaphore_mem>>) src(%dma_wait3A_131 : memref<20480x64xf32, #tpu.memory_space<hbm>>) dst(%arg11 : memref<128x64xf32, #tpu.memory_space<vmem>>)
    %dma_start3A_132 = arith.constant 167 : i32
    %dma_start3A_133 = arith.constant 0 : i32
    %dma_start3A_134 = tpu.memref_slice %arg7[%dma_start3A_132, %dma_start3A_133] : memref<168x128xi32, #tpu.memory_space<vmem>> -> memref<1x128xi32, #tpu.memory_space<vmem>>
    %dma_start3A_135 = tpu.memref_squeeze %dma_start3A_134 : memref<1x128xi32, #tpu.memory_space<vmem>> -> memref<128xi32, #tpu.memory_space<vmem>>
    %dma_start3A_136 = arith.constant 0 : i32
    %dma_start3A_137 = arith.constant 0 : i32
    %dma_start3A_138 = tpu.memref_slice %arg12[%dma_start3A_136, %dma_start3A_137] : memref<10240x64xf32, #tpu.memory_space<vmem_shared>> -> memref<10240x64xf32, #tpu.memory_space<vmem_shared>>
    tpu.enqueue_indirect_dma source(%arg11 : memref<128x64xf32, #tpu.memory_space<vmem>>) target(%dma_start3A_138 : memref<10240x64xf32, #tpu.memory_space<vmem_shared>>) offsets(%dma_start3A_135 : memref<128xi32, #tpu.memory_space<vmem>>) semaphore(%arg17 : memref<!tpu.dma_semaphore, #tpu.memory_space<semaphore_mem>>) {add = true}
    %dma_wait3A_139 = arith.constant 167 : i32
    %dma_wait3A_140 = arith.constant 0 : i32
    %dma_wait3A_141 = tpu.memref_slice %arg7[%dma_wait3A_139, %dma_wait3A_140] : memref<168x128xi32, #tpu.memory_space<vmem>> -> memref<1x128xi32, #tpu.memory_space<vmem>>
    %dma_wait3A_142 = tpu.memref_squeeze %dma_wait3A_141 : memref<1x128xi32, #tpu.memory_space<vmem>> -> memref<128xi32, #tpu.memory_space<vmem>>
    %dma_wait3A_143 = arith.constant 0 : i32
    %dma_wait3A_144 = arith.constant 0 : i32
    %dma_wait3A_145 = tpu.memref_slice %arg12[%dma_wait3A_143, %dma_wait3A_144] : memref<10240x64xf32, #tpu.memory_space<vmem_shared>> -> memref<10240x64xf32, #tpu.memory_space<vmem_shared>>
    tpu.wait_indirect_dma semaphore(%arg17 : memref<!tpu.dma_semaphore, #tpu.memory_space<semaphore_mem>>) src(%arg8 : memref<128x64xf32, #tpu.memory_space<vmem>>) dst(%dma_wait3A_145 : memref<10240x64xf32, #tpu.memory_space<vmem_shared>>)
    %barrier3A_146 = arith.constant 0 : index
    tpu.barrier barrier_id(%barrier3A_146)
    %mul3A_147 = arith.constant 640 : i32
    %mul3A_148 = arith.muli %arg1, %mul3A_147 : i32
    %mul3A_149 = arith.constant 640 : i32
    %mul3A_150 = arith.muli %arg1, %mul3A_149 : i32
    "tpu.region"() ({
      %run_scoped3A = tpu.sem_alloc : memref<!tpu.dma_semaphore, #tpu.memory_space<semaphore_mem>>
      %dma_start3A_151 = arith.constant 0 : i32
      %dma_start3A_152 = arith.constant 0 : i32
      %dma_start3A_153 = tpu.memref_slice %arg5[%arg0, %dma_start3A_151, %dma_start3A_152] : memref<2x10240x64xf32, #tpu.memory_space<hbm>> -> memref<1x10240x64xf32, #tpu.memory_space<hbm>>
      %dma_start3A_154 = tpu.memref_squeeze %dma_start3A_153 : memref<1x10240x64xf32, #tpu.memory_space<hbm>> -> memref<10240x64xf32, #tpu.memory_space<hbm>>
      %dma_start3A_155 = arith.constant 0 : i32
      %dma_start3A_156 = tpu.memref_slice %dma_start3A_154[%mul3A_150, %dma_start3A_155] : memref<10240x64xf32, #tpu.memory_space<hbm>> -> memref<640x64xf32, #tpu.memory_space<hbm>>
      %dma_start3A_157 = arith.constant 0 : i32
      %dma_start3A_158 = tpu.memref_slice %arg12[%mul3A_148, %dma_start3A_157] : memref<10240x64xf32, #tpu.memory_space<vmem_shared>> -> memref<640x64xf32, #tpu.memory_space<vmem_shared>>
      tpu.enqueue_dma source(%dma_start3A_158 : memref<640x64xf32, #tpu.memory_space<vmem_shared>>) target(%dma_start3A_156 : memref<640x64xf32, #tpu.memory_space<hbm>>) target_semaphore(%run_scoped3A : memref<!tpu.dma_semaphore, #tpu.memory_space<semaphore_mem>>)
      %dma_wait3A_159 = arith.constant 0 : i32
      %dma_wait3A_160 = arith.constant 0 : i32
      %dma_wait3A_161 = tpu.memref_slice %arg5[%arg0, %dma_wait3A_159, %dma_wait3A_160] : memref<2x10240x64xf32, #tpu.memory_space<hbm>> -> memref<1x10240x64xf32, #tpu.memory_space<hbm>>
      %dma_wait3A_162 = tpu.memref_squeeze %dma_wait3A_161 : memref<1x10240x64xf32, #tpu.memory_space<hbm>> -> memref<10240x64xf32, #tpu.memory_space<hbm>>
      %dma_wait3A_163 = arith.constant 0 : i32
      %dma_wait3A_164 = tpu.memref_slice %dma_wait3A_162[%mul3A_150, %dma_wait3A_163] : memref<10240x64xf32, #tpu.memory_space<hbm>> -> memref<640x64xf32, #tpu.memory_space<hbm>>
      %dma_wait3A_165 = arith.constant 0 : i32
      %dma_wait3A_166 = tpu.memref_slice %arg12[%mul3A_148, %dma_wait3A_165] : memref<10240x64xf32, #tpu.memory_space<vmem_shared>> -> memref<640x64xf32, #tpu.memory_space<vmem_shared>>
      tpu.wait_dma2 semaphore(%run_scoped3A : memref<!tpu.dma_semaphore, #tpu.memory_space<semaphore_mem>>) src(%dma_wait3A_166 : memref<640x64xf32, #tpu.memory_space<vmem_shared>>) dst(%dma_wait3A_164 : memref<640x64xf32, #tpu.memory_space<hbm>>)
      tpu.yield
    }) : () -> ()
    return
  }
}

module attributes {stable_mosaic.version = 14 : i64} {
  func.func @_tc1_body(%arg0: i32, %arg1: memref<1000x128xf32, #tpu.memory_space<vmem>>, %arg2: memref<128x128xf32, #tpu.memory_space<vmem>>, %arg3: memref<1000x1xf32, #tpu.memory_space<vmem>>, %arg4: memref<1000x1xf32, #tpu.memory_space<vmem>>, %arg5: memref<1000x128xf32, #tpu.memory_space<vmem>>, %arg6: memref<1000x1xf32, #tpu.memory_space<vmem>>) attributes {dimension_semantics = [#tpu.dimension_semantics<parallel>], iteration_bounds = array<i64: 10>, scalar_prefetch = 0 : i64, scratch_operands = 0 : i64, tpu.core_type = #tpu.core_type<tc>, window_params = [{transform_indices = @transform_0, window_bounds = array<i64: 1000, 128>}, {pipeline_mode = #tpu.pipeline_mode<synchronous>, transform_indices = @transform_1, window_bounds = array<i64: 128, 128>}, {transform_indices = @transform_2, window_bounds = array<i64: 1000, 1>}, {transform_indices = @transform_3, window_bounds = array<i64: 1000, 1>}, {transform_indices = @transform_4, window_bounds = array<i64: 1000, 128>}, {transform_indices = @transform_5, window_bounds = array<i64: 1000, 1>}]} {
    %get3A = arith.constant 0 : index
    %get3A_0 = arith.constant 0 : index
    %get3A_1 = vector.load %arg3[%get3A, %get3A_0] : memref<1000x1xf32, #tpu.memory_space<vmem>>, vector<1000x1xf32>
    %get3A_2 = arith.constant 0 : index
    %get3A_3 = arith.constant 0 : index
    %get3A_4 = vector.load %arg4[%get3A_2, %get3A_3] : memref<1000x1xf32, #tpu.memory_space<vmem>>, vector<1000x1xf32>
    %add3A = arith.addf %get3A_1, %get3A_4 : vector<1000x1xf32>
    %rsqrt3A = math.rsqrt %add3A : vector<1000x1xf32>
    %get3A_5 = arith.constant 0 : index
    %get3A_6 = arith.constant 0 : index
    %get3A_7 = vector.load %arg1[%get3A_5, %get3A_6] : memref<1000x128xf32, #tpu.memory_space<vmem>>, vector<1000x128xf32>
    %get3A_8 = arith.constant 0 : index
    %get3A_9 = arith.constant 0 : index
    %get3A_10 = vector.load %arg2[%get3A_8, %get3A_9] : memref<128x128xf32, #tpu.memory_space<vmem>>, vector<128x128xf32>
    %dot_general3A = arith.constant dense<0.000000e+00> : vector<1000x128xf32>
    %dot_general3A_11 = tpu.matmul %get3A_7, %get3A_10, %dot_general3A {dimension_numbers = #tpu.dot_dimension_numbers<[1], [0], [0], [1], [0, 0, 1, 1], [], []>, transpose_lhs_hint = false} : vector<1000x128xf32>, vector<128x128xf32>, vector<1000x128xf32> -> vector<1000x128xf32>
    %mul3A = vector.broadcast %rsqrt3A : vector<1000x1xf32> to vector<1000x128xf32>
    %mul3A_12 = arith.mulf %dot_general3A_11, %mul3A : vector<1000x128xf32>
    %swap3A = arith.constant 0 : index
    %swap3A_13 = arith.constant 0 : index
    %swap3A_14 = vector.load %arg5[%swap3A, %swap3A_13] : memref<1000x128xf32, #tpu.memory_space<vmem>>, vector<1000x128xf32>
    tpu.vector_store %arg5[%swap3A, %swap3A_13], %mul3A_12 {strides = array<i32>} : memref<1000x128xf32, #tpu.memory_space<vmem>>, vector<1000x128xf32>,
    %swap3A_15 = arith.constant 0 : index
    %swap3A_16 = arith.constant 0 : index
    %swap3A_17 = vector.load %arg6[%swap3A_15, %swap3A_16] : memref<1000x1xf32, #tpu.memory_space<vmem>>, vector<1000x1xf32>
    tpu.vector_store %arg6[%swap3A_15, %swap3A_16], %rsqrt3A {strides = array<i32>} : memref<1000x1xf32, #tpu.memory_space<vmem>>, vector<1000x1xf32>,
    return
  }
  func.func @transform_0(%arg0: i32) -> (i32, i32) {
    %c0_i32 = arith.constant 0 : i32
    %c0_i32_0 = arith.constant 0 : i32
    return %arg0, %c0_i32 : i32, i32
  }
  func.func @transform_1(%arg0: i32) -> (i32, i32) {
    %c0_i32 = arith.constant 0 : i32
    %c0_i32_0 = arith.constant 0 : i32
    %c0_i32_1 = arith.constant 0 : i32
    return %c0_i32, %c0_i32_0 : i32, i32
  }
  func.func @transform_2(%arg0: i32) -> (i32, i32) {
    %c0_i32 = arith.constant 0 : i32
    %c0_i32_0 = arith.constant 0 : i32
    return %arg0, %c0_i32 : i32, i32
  }
  func.func @transform_3(%arg0: i32) -> (i32, i32) {
    %c0_i32 = arith.constant 0 : i32
    %c0_i32_0 = arith.constant 0 : i32
    return %arg0, %c0_i32 : i32, i32
  }
  func.func @transform_4(%arg0: i32) -> (i32, i32) {
    %c0_i32 = arith.constant 0 : i32
    %c0_i32_0 = arith.constant 0 : i32
    return %arg0, %c0_i32 : i32, i32
  }
  func.func @transform_5(%arg0: i32) -> (i32, i32) {
    %c0_i32 = arith.constant 0 : i32
    %c0_i32_0 = arith.constant 0 : i32
    return %arg0, %c0_i32 : i32, i32
  }
}

module attributes {stable_mosaic.version = 14 : i64} {
  func.func @_tc2_body(%arg0: i32, %arg1: memref<2x1000x64xf32, #tpu.memory_space<vmem>>, %arg2: memref<1000x1xf32, #tpu.memory_space<vmem>>, %arg3: memref<1x128xf32, #tpu.memory_space<vmem>>, %arg4: memref<1000x128xf32, #tpu.memory_space<vmem>>) attributes {dimension_semantics = [#tpu.dimension_semantics<parallel>], iteration_bounds = array<i64: 10>, scalar_prefetch = 0 : i64, scratch_operands = 0 : i64, tpu.core_type = #tpu.core_type<tc>, window_params = [{transform_indices = @transform_0, window_bounds = array<i64: 2, 1000, 64>}, {transform_indices = @transform_1, window_bounds = array<i64: 1000, 1>}, {pipeline_mode = #tpu.pipeline_mode<synchronous>, transform_indices = @transform_2, window_bounds = array<i64: 1, 128>}, {transform_indices = @transform_3, window_bounds = array<i64: 1000, 128>}]} {
    %get3A = arith.constant 0 : index
    %get3A_0 = arith.constant 0 : index
    %get3A_1 = vector.load %arg2[%get3A, %get3A_0] : memref<1000x1xf32, #tpu.memory_space<vmem>>, vector<1000x1xf32>
    %get3A_2 = arith.constant 0 : index
    %get3A_3 = arith.constant 0 : index
    %get3A_4 = arith.constant 0 : index
    %get3A_5 = vector.load %arg1[%get3A_2, %get3A_3, %get3A_4] : memref<2x1000x64xf32, #tpu.memory_space<vmem>>, vector<1x1000x64xf32>
    %get3A_6 = vector.shape_cast %get3A_5 : vector<1x1000x64xf32> to vector<1000x64xf32>
    %mul3A = vector.broadcast %get3A_1 : vector<1000x1xf32> to vector<1000x64xf32>
    %mul3A_7 = arith.mulf %mul3A, %get3A_6 : vector<1000x64xf32>
    %get3A_8 = arith.constant 0 : index
    %get3A_9 = arith.constant 0 : index
    %get3A_10 = vector.load %arg3[%get3A_8, %get3A_9] : memref<1x128xf32, #tpu.memory_space<vmem>>, vector<1x64xf32>
    %add3A = vector.broadcast %get3A_10 : vector<1x64xf32> to vector<1000x64xf32>
    %add3A_11 = arith.addf %mul3A_7, %add3A : vector<1000x64xf32>
    %max3A = arith.constant 0.000000e+00 : f32
    %max3A_12 = vector.broadcast %max3A : f32 to vector<1000x64xf32>
    %max3A_13 = arith.maximumf %add3A_11, %max3A_12 : vector<1000x64xf32>
    %swap3A = arith.constant 0 : index
    %swap3A_14 = arith.constant 0 : index
    %swap3A_15 = vector.load %arg4[%swap3A, %swap3A_14] : memref<1000x128xf32, #tpu.memory_space<vmem>>, vector<1000x64xf32>
    tpu.vector_store %arg4[%swap3A, %swap3A_14], %max3A_13 {strides = array<i32>} : memref<1000x128xf32, #tpu.memory_space<vmem>>, vector<1000x64xf32>,
    %get3A_16 = arith.constant 1 : index
    %get3A_17 = arith.constant 0 : index
    %get3A_18 = arith.constant 0 : index
    %get3A_19 = vector.load %arg1[%get3A_16, %get3A_17, %get3A_18] : memref<2x1000x64xf32, #tpu.memory_space<vmem>>, vector<1x1000x64xf32>
    %get3A_20 = vector.shape_cast %get3A_19 : vector<1x1000x64xf32> to vector<1000x64xf32>
    %mul3A_21 = vector.broadcast %get3A_1 : vector<1000x1xf32> to vector<1000x64xf32>
    %mul3A_22 = arith.mulf %mul3A_21, %get3A_20 : vector<1000x64xf32>
    %get3A_23 = arith.constant 0 : index
    %get3A_24 = arith.constant 64 : index
    %get3A_25 = vector.load %arg3[%get3A_23, %get3A_24] : memref<1x128xf32, #tpu.memory_space<vmem>>, vector<1x64xf32>
    %add3A_26 = vector.broadcast %get3A_25 : vector<1x64xf32> to vector<1000x64xf32>
    %add3A_27 = arith.addf %mul3A_22, %add3A_26 : vector<1000x64xf32>
    %max3A_28 = arith.constant 0.000000e+00 : f32
    %max3A_29 = vector.broadcast %max3A_28 : f32 to vector<1000x64xf32>
    %max3A_30 = arith.maximumf %add3A_27, %max3A_29 : vector<1000x64xf32>
    %swap3A_31 = arith.constant 0 : index
    %swap3A_32 = arith.constant 64 : index
    %swap3A_33 = vector.load %arg4[%swap3A_31, %swap3A_32] : memref<1000x128xf32, #tpu.memory_space<vmem>>, vector<1000x64xf32>
    tpu.vector_store %arg4[%swap3A_31, %swap3A_32], %max3A_30 {strides = array<i32>} : memref<1000x128xf32, #tpu.memory_space<vmem>>, vector<1000x64xf32>,
    return
  }
  func.func @transform_0(%arg0: i32) -> (i32, i32, i32) {
    %c0_i32 = arith.constant 0 : i32
    %c0_i32_0 = arith.constant 0 : i32
    %c0_i32_1 = arith.constant 0 : i32
    return %c0_i32, %arg0, %c0_i32_0 : i32, i32, i32
  }
  func.func @transform_1(%arg0: i32) -> (i32, i32) {
    %c0_i32 = arith.constant 0 : i32
    %c0_i32_0 = arith.constant 0 : i32
    return %arg0, %c0_i32 : i32, i32
  }
  func.func @transform_2(%arg0: i32) -> (i32, i32) {
    %c0_i32 = arith.constant 0 : i32
    %c0_i32_0 = arith.constant 0 : i32
    %c0_i32_1 = arith.constant 0 : i32
    return %c0_i32, %c0_i32_0 : i32, i32
  }
  func.func @transform_3(%arg0: i32) -> (i32, i32) {
    %c0_i32 = arith.constant 0 : i32
    %c0_i32_0 = arith.constant 0 : i32
    return %arg0, %c0_i32 : i32, i32
  }
}

</mosaic_0001>

<sc_bundles>
// kernel: kernel.6.cloned.1.call-start
scs
__scs_entry_jumppad:
0x0: {  	(pc) =	sbr.rel $0x88, $3  }
0x1: {  	(tag) =	ssettag $0x0;
	lr =	simm.s32 $0x1  }
0x2: {  	[smem:$0x3F9D] =	sst lr;
	_ =	strace $0xD0000000  }
0x3: {  	_ = 	snop  }
0x4: {  	_ = 	snop  }
0x5: {  	_ = 	snop  }
0x6: {  	_ = 	snop  }
0x7: {  	_ = 	snop  }
__scs_overlays_trampoline_lowered:
0x8: {  	[smem:$0x3FAC] =	sst s0  }
0x9: {  	[smem:$0x3FAD] =	sst s1  }
0xa: {  	[smem:$0x3FAE] =	sst s2  }
0xb: {  	[smem:$0x3FAF] =	sst s3  }
0xc: {  	[smem:$0x3FB0] =	sst s4  }
0xd: {  	[smem:$0x3FB1] =	sst s5  }
0xe: {  	[smem:$0x3FB2] =	sst s6  }
0xf: {  	[smem:$0x3FB3] =	sst s7  }
0x10: {  	[smem:$0x3FB4] =	sst s8  }
0x11: {  	[smem:$0x3FB5] =	sst s9;
	s0 =	simm.s32 @!p0 $0x0  }
0x12: {  	s1 =	sld [smem:$0x3F9B];
	s0 =	simm.s32 @p0 $0x1  }
0x13: {  	[smem:$0x3FB6] =	sst s0;
	s0 =	simm.s32 @!p1 $0x0  }
0x14: {  	s2 =	sld [smem:$0x3F9A];
	s0 =	simm.s32 @p1 $0x1  }
0x15: {  	[smem:$0x3FB7] =	sst s0;
	s0 =	simm.s32 @!p2 $0x0  }
0x16: {  	s3 =	sld [smem:$0x3FDB];
	s0 =	simm.s32 @p2 $0x1  }
0x17: {  	s4 =	simm.s32 $0x1BF5;
	[smem:$0x3FB9] =	sst s0  }
0x18: {  	s0 =	sld [smem:$0x3F9C];
	_ =	swait.ge [sflag:s4], $0x0  }
0x19: {  	s7 =	sld [smem:$0x3F9D]  }
0x1a: {  	s8 =	sadd.s32 $0xFFFFE003, lr  }
0x1b: {  	s9 =	sadd.s32 $0xFFFFFEF7, lr;
	s5 =	simm.s32 $0xFFFFFFFF;
	p2 =	slt.u32 s8, $0xFFFFF086  }
0x1c: {  	p1 =	slt.u32 s9, $0xF7A;
	s5 =	simm.s32 @!p2 $0x0  }
0x1d: {  	s5 =	simm.s32 @p1 $0x1;
	p0 =	seq.s32 s7, s2  }
0x1e: {  	s7 =	smul.u32 @!p0 $0xF7A, s2;
	p2 =	seq.s32 @!p0 s5, $0x0  }
0x1f: {  	s9 =	smul.u32 $0xF7A, s1;
	s8 =	simm.s32 @!p0 $0x1BF5;
	p2 =	por !p2, p0  }
0x20: {  	[sflag:s8] =	ssyncset.s32 @!p0 $0xFFFFF086;
	s6 =	sadd.s32 @!p0 s3, s7;
	s7 =	simm.s32 @!p0 $0x108  }
0x21: {  	s3 =	sadd.s32 s3, s9;
	s6 =	sadd.s32 @!p0 $0x88, s6;
	s7 =	simm.s32 @p2 $0x1082  }
0x22: {  	[simem:s7], [sflag:s8] =	dma.local @!p0 [hbm:s6], $0xF7A  }
0x23: {  	s9 =	sor.u32 $0xD0000000, s2;
	s6 =	simm.s32 $0x108;
	_ =	swait.ge @!p0 [sflag:s8], $0x0  }
0x24: {  	s3 =	sadd.s32 $0x88, s3;
	s6 =	simm.s32 @!p1 $0x1082;
	[sflag:s4] =	ssyncset.s32 $0xFFFFF086  }
0x25: {  	[simem:s6], [sflag:s4] =	dma.local [hbm:s3], $0xF7A  }
0x26: {  	[smem:$0x3F9D] =	sst s1;
	(tag) =	ssettag s2;
	_ =	strace s9  }
0x27: {  	s1 =	sld [smem:$0x3FAD]  }
0x28: {  	s2 =	sld [smem:$0x3FAE]  }
0x29: {  	s4 =	sld [smem:$0x3FB0]  }
0x2a: {  	p0 =	seq.s32 s5, $0x0;
	s5 =	sld [smem:$0x3FB1]  }
0x2b: {  	s6 =	sld [smem:$0x3FB2]  }
0x2c: {  	s7 =	sld [smem:$0x3FB3]  }
0x2d: {  	s3 =	simm.s32 $0x108;
	s8 =	sld [smem:$0x3FB4]  }
0x2e: {  	s3 =	simm.s32 @!p0 $0x1082;
	s9 =	sld [smem:$0x3FB5]  }
0x2f: {  	lr =	sadd.s32 s0, s3;
	s0 =	sld [smem:$0x3FAC]  }
0x30: {  	s3 =	sld [smem:$0x3FAF]  }
0x31: {  	[smem:$0x3FB8] =	sst s10  }
0x32: {  	s10 =	sld [smem:$0x3FB6];
	_ =	sdelay $0x3  }
0x33: {  	p0 =	seq.s32 s10, $0x1;
	s10 =	sld [smem:$0x3FB8];
	_ =	sdelay $0x3  }
0x34: {  	[smem:$0x3FB8] =	sst s10  }
0x35: {  	s10 =	sld [smem:$0x3FB7];
	_ =	sdelay $0x3  }
0x36: {  	p1 =	seq.s32 s10, $0x1;
	s10 =	sld [smem:$0x3FB8];
	_ =	sdelay $0x3  }
0x37: {  	[smem:$0x3FB8] =	sst s10  }
0x38: {  	s10 =	sld [smem:$0x3FB9]  }
0x39: {  	_ = 	snop;
	(pc) =	sbr.ind lr, $3  }
0x3a: {  	_ = 	snop  }
0x3b: {  	_ = 	snop  }
0x3c: {  	p2 =	seq.s32 s10, $0x1;
	s10 =	sld [smem:$0x3FB8]  }
0x3d: {  	_ =	shalt  }
0x3e: {  	_ =	shalt  }
0x3f: {  	_ =	shalt  }
0x40: {  	_ =	shalt  }
0x41: {  	_ =	shalt  }
0x42: {  	_ =	shalt  }
0x43: {  	_ =	shalt  }
0x44: {  	_ =	shalt  }
0x45: {  	_ =	shalt  }
0x46: {  	_ =	shalt  }
0x47: {  	_ =	shalt  }
0x48: {  	_ =	shalt  }
0x49: {  	_ =	shalt  }
0x4a: {  	_ =	shalt  }
0x4b: {  	_ =	shalt  }
0x4c: {  	_ =	shalt  }
0x4d: {  	_ =	shalt  }
0x4e: {  	_ =	shalt  }
0x4f: {  	_ =	shalt  }
0x50: {  	_ =	shalt  }
0x51: {  	_ =	shalt  }
0x52: {  	_ =	shalt  }
0x53: {  	_ =	shalt  }
0x54: {  	_ =	shalt  }
0x55: {  	_ =	shalt  }
0x56: {  	_ =	shalt  }
0x57: {  	_ =	shalt  }
0x58: {  	_ =	shalt  }
0x59: {  	_ =	shalt  }
0x5a: {  	_ =	shalt  }
0x5b: {  	_ =	shalt  }
0x5c: {  	_ =	shalt  }
0x5d: {  	_ =	shalt  }
0x5e: {  	_ =	shalt  }
0x5f: {  	_ =	shalt  }
0x60: {  	_ =	shalt  }
0x61: {  	_ =	shalt  }
0x62: {  	_ =	shalt  }
0x63: {  	_ =	shalt  }
0x64: {  	_ =	shalt  }
0x65: {  	_ =	shalt  }
0x66: {  	_ =	shalt  }
0x67: {  	_ =	shalt  }
0x68: {  	_ =	shalt  }
0x69: {  	_ =	shalt  }
0x6a: {  	_ =	shalt  }
0x6b: {  	_ =	shalt  }
0x6c: {  	_ =	shalt  }
0x6d: {  	_ =	shalt  }
0x6e: {  	_ =	shalt  }
0x6f: {  	_ =	shalt  }
0x70: {  	_ =	shalt  }
0x71: {  	_ =	shalt  }
0x72: {  	_ =	shalt  }
0x73: {  	_ =	shalt  }
0x74: {  	_ =	shalt  }
0x75: {  	_ =	shalt  }
0x76: {  	_ =	shalt  }
0x77: {  	_ =	shalt  }
0x78: {  	_ =	shalt  }
0x79: {  	_ =	shalt  }
0x7a: {  	_ =	shalt  }
0x7b: {  	_ =	shalt  }
0x7c: {  	_ =	shalt  }
0x7d: {  	_ =	shalt  }
0x7e: {  	_ =	shalt  }
0x7f: {  	_ =	shalt  }
0x80: {  	_ =	shalt  }
0x81: {  	_ =	shalt  }
0x82: {  	_ =	shalt  }
0x83: {  	_ =	shalt  }
0x84: {  	_ =	shalt  }
0x85: {  	_ =	shalt  }
0x86: {  	_ =	shalt  }
0x87: {  	_ =	shalt  }
.Lfunc_end0:
.L_simem_size_0:
called_computation_lowered:
.L_overlay_start_0:
0x88: {  	s2 =	sld [smem:$0x3FD9]  }
0x89: {  	s3 =	sld [smem:$0x3FFE];
	_ =	sdelay $0x1  }
0x8a: {  	s1 =	srdreg.scid  }
0x8b: {  	s0 =	sand.u32 $0x1, s1  }
0x8c: {  	s16 =	sshll.u32 s0, $0xA;
	s2 =	sadd.s32 s3, s2  }
0x8d: {  	s2 =	sadd.s32 s2, s16  }
0x8e: {  	[smem:$0x3FC4] =	sst s2  }
0x8f: {  	_ = 	snop  }
0x90: {  	(tm) =	ssettm $0x1  }
0x91: {  	s17 =	sld [smem:$0x3FFB];
	_ =	sdelay $0x3  }
0x92: {  	_ =	strace s17  }
0x93: {  	s2 =	sld [smem:$0x3FFC];
	_ =	sdelay $0x3  }
0x94: {  	_ =	strace s2  }
0x95: {  	s2 =	sld [smem:$0x3FFD];
	_ =	sdelay $0x3  }
0x96: {  	_ =	strace s2  }
0x97: {  	_ =	strace $0x8FFFFFFF  }
0x98: {  	s18 =	sld [smem:$0x3FDB];
	_ =	sdelay $0x1  }
0x99: {  	s19 =	simm.s32 $_scs_section_size  }
0x9a: {  	s4 =	simm.s32 $_size__tile_overlayer_lowered;
	s5 =	simm.s32 $_tile_overlayer_lowered  }
0x9b: {  	s22 =	simm.s32 $0x1BFF;
	s21 =	sshll.u32 s5, $0x1;
	s2 =	sadd.s32 s19, s18  }
0x9c: {  	s6 =	simm.s32 $0x0;
	s20 =	sshll.u32 s4, $0x1;
	s4 =	sadd.s32 s21, s2  }
0x9d: {  	[timem:s6], [sflag:s22] =	dma.local [hbm:s4], s20  }
0x9e: {  	_ =	swait.ge [sflag:s22], s20  }
0x9f: {  	s3 =	ssub.s32 $0x0, s20;
	[sflag:s22] =	ssyncset.done $0x0  }
0xa0: {  	[sflag:s22] =	ssyncadd.s32 s3;
	_ =	sdelay $0x1  }
0xa1: {  	s23 =	simm.s32 $0x1B8B  }
0xa2: {  	_ =	swait.ge [sflag:s23], $0x1  }
0xa3: {  	[sflag:s23] =	ssyncset.done $0x0  }
0xa4: {  	s25 =	simm.s32 $0x1B8E;
	s24 =	sld [smem:$0x3FFE];
	[sflag:s23] =	ssyncadd.s32 $0xFFFFFFFF  }
0xa5: {  	s26 =	simm.s32 $execute0_lowered;
	[smem:$0x3FD2] =	sst s25  }
0xa6: {  	s4 =	sshll.u32 s26, $0x1;
	_ =	strace $0x80000046;
	[dreg:$0x1] =	wrdreg $0xFFFFFFFF  }
0xa7: {  	s28 =	simm.s32 $_size_execute0_lowered;
	s2 =	sadd.s32 s2, s4;
	[dreg:$0x0] =	wrdreg $0x0  }
0xa8: {  	s4 =	sshll.u32 s28, $0x1;
	[dreg:$0x2] =	wrdreg s2  }
0xa9: {  	[dreg:$0x3] =	wrdreg s4  }
0xaa: {  	[dreg:$0x4] =	wrdreg $0xC0  }
0xab: {  	_ =	task [dreg:s6], $0x5FFFF  }
0xac: {  	[dreg:$0x1] =	wrdreg $0xFFFFFFFF  }
0xad: {  	[dreg:$0x0] =	wrdreg $0x60  }
0xae: {  	[dreg:$0x2] =	wrdreg s24  }
0xaf: {  	[dreg:$0x3] =	wrdreg $0x2D000  }
0xb0: {  	[dreg:$0x4] =	wrdreg $0x9  }
0xb1: {  	_ =	task.clear_ibuf [dreg:s6], $0x5FFFF;
	_ =	strace $0x90000046  }
0xb2: {  	s29 =	simm.s32 $0x9;
	_ =	strace $0x80000048  }
0xb3: {  	_ =	swait.ge [sflag:s29], $0x1  }
0xb4: {  	[sflag:s29] =	ssyncadd.s32 $0xFFFFFFFF  }
0xb5: {  	_ =	strace $0x90000048  }
0xb6: {  	_ =	sfence  }
0xb7: {  	s30 =	sld [smem:$0x0];
	_ =	sdelay $0x2  }
0xb8: {  	s31 =	sshll.u32 s1, $0xD;
	s1 =	sshrl.u32 s1, $0x2  }
0xb9: {  	s3 =	sand.u32 $0x4000, s31;
	s1 =	sadd.s32 s1, s30  }
0xba: {  	s0 =	sor.u32 s3, s0;
	s1 =	sshll.u32 s1, $0x11  }
0xbb: {  	s0 =	sor.u32 s1, s0  }
0xbc: {  	s0 =	sadd.s32 $0x8F2B, s0  }
0xbd: {  	[sflag:s0] =	ssyncadd.remote.s32 $0x1  }
0xbe: {  	_ =	sfence.sel $0xFFFF  }
0xbf: {  	[dreg:$0x0] =	wrdreg $0xFFFFFFFF;
	(pc) =	sbr.abs _section_cstart, $3  }
0xc0: {  	[dreg:$0x1] =	wrdreg $0xFFFFFFFF  }
0xc1: {  	_ =	task.clear_ibuf [dreg:s6], $0x2FFFF;
	_ =	strace $0x9FFFFFFF  }
0xc2: {  	(tm) =	ssettm $0x7FFFFFFF  }
0xc3: {  	_ =	shalt  }
tec
execute0_lowered:
.L_overlay_start_1:
0x0: {  	(tag) =	ssettag $0x1  }
0x1: {  	s4 =	rddreg [dreg:$0x0]  }
0x2: {  	s0 =	stileid.u32;
	s1 =	srdreg.scid  }
0x3: {  	s2 =	rddreg [dreg:$0x1];
	s3 =	simm.s32 $0x0;
	s12 =	simm.s32 $0x180  }
0x4: {  	s13 =	simm.s32 $0x1;
	s14 =	simm.s32 $0x2;
	s15 =	simm.s32 $0x3  }
0x5: {  	s16 =	simm.s32 $0x4;
	s20 =	simm.s32 $0x0;
	s5 =	smul.u32 $0xA80, s0  }
0x6: {  	s6 =	sand.u32 $0x1, s1;
	s1 =	rddreg [dreg:$0x2];
	s9 =	smul.u32 $0x280, s0  }
0x7: {  	[smem:$0x7FF] =	sst s3;
	s31 =	sshll.u32 s0, $0x6;
	s7 =	smul.u32 $0x500, s6  }
0x8: {  	s8 =	ssub.s32 $0x2, s6;
	_ =	strace $0x80000047;
	s11 =	smul.u32 $0x540, s6  }
0x9: {  	s6 =	simm.s32 $0x2A80;
	s5 =	sadd.s32 s5, s4;
	s10 =	sshrl.u32 s8, $0x1  }
0xa: {  	s18 =	sshrl.u32 s9, $0x3;
	s7 =	sadd.s32 s7, s4;
	s8 =	ssub.s32 s8, s10  }
0xb: {  	s4 =	sadd.s32 s9, s2;
	s30 =	sadd.s32 $0x1800, s5;
	s9 =	simm.s32 $0x80  }
0xc: {  	s10 =	simm.s32 $0x2A00;
	s17 =	sadd.s32 $0xC000, s7;
	s5 =	smax.u32 s8, $0x1  }
0xd: {  	s7 =	simm.s32 $0x5;
	s8 =	sadd.s32 s11, s30;
	s11 =	simm.s32 $0x100  }
0xe: {  	v0 =	vimm.f32 $0.0e+00;
	v1 =	vimm.f32 $1.000000000e+00;
	s19 =	sshrl.u32 s4, $0x3;
	s17 =	sadd.s32 s18, s17;
	s18 =	sor.u32 $0x1C05, s31  }
.LBB2_1:
0xf: {  	[tilespmem:$0x2A80] =	vst v0  }
0x10: {  	[tilespmem:$0x2A90] =	vst v0  }
0x11: {  	[tilespmem:$0x2AA0] =	vst v0  }
0x12: {  	[tilespmem:$0x2AB0] =	vst v0  }
0x13: {  	[tilespmem:$0x2AC0] =	vst v0  }
0x14: {  	[tilespmem:$0x2AD0] =	vst v0  }
0x15: {  	[tilespmem:$0x2AE0] =	vst v0  }
0x16: {  	[tilespmem:$0x2AF0] =	vst v0  }
0x17: {  	[tilespmem:$0x2B00] =	vst v0  }
0x18: {  	[tilespmem:$0x2B10] =	vst v0  }
0x19: {  	[tilespmem:$0x2B20] =	vst v0  }
0x1a: {  	[tilespmem:$0x2B30] =	vst v0  }
0x1b: {  	[tilespmem:$0x2B40] =	vst v0  }
0x1c: {  	[tilespmem:$0x2B50] =	vst v0  }
0x1d: {  	[tilespmem:$0x2B60] =	vst v0  }
0x1e: {  	[tilespmem:$0x2B70] =	vst v0  }
0x1f: {  	[tilespmem:$0x2B80] =	vst v0  }
0x20: {  	[tilespmem:$0x2B90] =	vst v0  }
0x21: {  	[tilespmem:$0x2BA0] =	vst v0  }
0x22: {  	[tilespmem:$0x2BB0] =	vst v0  }
0x23: {  	[tilespmem:$0x2BC0] =	vst v0  }
0x24: {  	[tilespmem:$0x2BD0] =	vst v0  }
0x25: {  	[tilespmem:$0x2BE0] =	vst v0  }
0x26: {  	[tilespmem:$0x2BF0] =	vst v0  }
0x27: {  	[tilespmem:$0x2C00] =	vst v0  }
0x28: {  	[tilespmem:$0x2C10] =	vst v0  }
0x29: {  	[tilespmem:$0x2C20] =	vst v0  }
0x2a: {  	[tilespmem:$0x2C30] =	vst v0  }
0x2b: {  	[tilespmem:$0x2C40] =	vst v0  }
0x2c: {  	[tilespmem:$0x2C50] =	vst v0  }
0x2d: {  	[tilespmem:$0x2C60] =	vst v0  }
0x2e: {  	[tilespmem:$0x2C70] =	vst v0  }
0x2f: {  	[tilespmem:$0x2C80] =	vst v0  }
0x30: {  	[tilespmem:$0x2C90] =	vst v0  }
0x31: {  	[tilespmem:$0x2CA0] =	vst v0  }
0x32: {  	[tilespmem:$0x2CB0] =	vst v0  }
0x33: {  	[tilespmem:$0x2CC0] =	vst v0  }
0x34: {  	[tilespmem:$0x2CD0] =	vst v0  }
0x35: {  	[tilespmem:$0x2CE0] =	vst v0  }
0x36: {  	[tilespmem:$0x2CF0] =	vst v0  }
0x37: {  	[tilespmem:$0x2A00] =	vst v1  }
0x38: {  	[tilespmem:$0x2A10] =	vst v1  }
0x39: {  	[tilespmem:$0x2A20] =	vst v1  }
0x3a: {  	[tilespmem:$0x2A30] =	vst v1  }
0x3b: {  	[tilespmem:$0x2A40] =	vst v1  }
0x3c: {  	[tilespmem:$0x2A50] =	vst v1  }
0x3d: {  	[tilespmem:$0x2A60] =	vst v1  }
0x3e: {  	[tilespmem:$0x2A70] =	vst v1  }
0x3f: {  	[spmem:s4] =	stream.linear.scatter [tilespmem:s6], [sflag:$0x5], $0x280, $0x38;
	[tilespmem:$0x2F80] =	vst v63  }
0x40: {  	_ =	swait.ge [sflag:s7], $0x280  }
0x41: {  	[sflag:s7] =	ssyncset.done $0x0  }
0x42: {  	[sflag:s7] =	ssyncadd.s32 $0xFFFFFD80  }
0x43: {  	[tilespmem:s3], [sflag:$0x5] =	stream.linear.gather [hbm4b:s8+s3], $0x2A00, $0x38;
	[tilespmem:$0x2F80] =	vst v63  }
0x44: {  	_ =	swait.ge [sflag:s7], $0x2A00  }
0x45: {  	[sflag:s7] =	ssyncset.done $0x0  }
0x46: {  	[sflag:s7] =	ssyncadd.s32 $0xFFFFD600  }
0x47: {  	[bflag:$0x0] =	sbarrier.arrive $0xFFFF  }
0x48: {  	[spmem:s2] =	stream.indirect.scatter.add.f32 [tilespmem:s10], [sflag:$0x1], $0x1, s3, s9, $0xb8;
	[tilespmem:$0x2F80] =	vst v63  }
0x49: {  	_ = 	snop  }
0x4a: {  	[spmem:s2] =	stream.indirect.scatter.add.f32 [tilespmem:s10], [sflag:$0x2], $0x1, s9, s9, $0xb8;
	[tilespmem:$0x2F80] =	vst v63  }
0x4b: {  	_ = 	snop  }
0x4c: {  	[spmem:s2] =	stream.indirect.scatter.add.f32 [tilespmem:s10], [sflag:$0x3], $0x1, s11, s9, $0xb8;
	[tilespmem:$0x2F80] =	vst v63  }
0x4d: {  	_ = 	snop  }
0x4e: {  	[spmem:s2] =	stream.indirect.scatter.add.f32 [tilespmem:s10], [sflag:$0x4], $0x1, s12, s9, $0xb8;
	[tilespmem:$0x2F80] =	vst v63  }
0x4f: {  	_ =	swait.ge [sflag:s13], $0x80  }
0x50: {  	[sflag:s13] =	ssyncset.done $0x0  }
0x51: {  	s21 =	simm.s32 $0x200;
	[sflag:s13] =	ssyncadd.s32 $0xFFFFFF80  }
0x52: {  	[spmem:s2] =	stream.indirect.scatter.add.f32 [tilespmem:s10], [sflag:$0x1], $0x1, s21, s9, $0xb8;
	[tilespmem:$0x2F80] =	vst v63  }
0x53: {  	_ =	swait.ge [sflag:s14], $0x80  }
0x54: {  	[sflag:s14] =	ssyncset.done $0x0  }
0x55: {  	s30 =	simm.s32 $0x280;
	[sflag:s14] =	ssyncadd.s32 $0xFFFFFF80  }
0x56: {  	[spmem:s2] =	stream.indirect.scatter.add.f32 [tilespmem:s10], [sflag:$0x2], $0x1, s30, s9, $0xb8;
	[tilespmem:$0x2F80] =	vst v63  }
0x57: {  	_ =	swait.ge [sflag:s15], $0x80  }
0x58: {  	[sflag:s15] =	ssyncset.done $0x0  }
0x59: {  	s31 =	simm.s32 $0x300;
	[sflag:s15] =	ssyncadd.s32 $0xFFFFFF80  }
0x5a: {  	[spmem:s2] =	stream.indirect.scatter.add.f32 [tilespmem:s10], [sflag:$0x3], $0x1, s31, s9, $0xb8;
	[tilespmem:$0x2F80] =	vst v63  }
0x5b: {  	_ =	swait.ge [sflag:s16], $0x80  }
0x5c: {  	[sflag:s16] =	ssyncset.done $0x0  }
0x5d: {  	s22 =	simm.s32 $0x380;
	s21 =	simm.s32 $0xFFFF6800;
	[sflag:s16] =	ssyncadd.s32 $0xFFFFFF80  }
.LBB2_2:
0x5e: {  	[spmem:s2] =	stream.indirect.scatter.add.f32 [tilespmem:s10], [sflag:$0x4], $0x1, s22, s9, $0xb8;
	[tilespmem:$0x2F80] =	vst v63  }
0x5f: {  	s22 =	smov.u32 s21  }
0x60: {  	p0 =	sne.s32 s21, $0xFFFFF800;
	s21 =	sadd.s32 $0x800, s21;
	_ =	swait.ge [sflag:s13], $0x80  }
0x61: {  	s22 =	sshra.s32 s22, $0x2;
	[sflag:s13] =	ssyncset.done $0x0  }
0x62: {  	s23 =	sadd.s32 $0x2A00, s22;
	[sflag:s13] =	ssyncadd.s32 $0xFFFFFF80  }
0x63: {  	[spmem:s2] =	stream.indirect.scatter.add.f32 [tilespmem:s10], [sflag:$0x1], $0x1, s23, s9, $0xb8;
	[tilespmem:$0x2F80] =	vst v63  }
0x64: {  	_ =	swait.ge [sflag:s14], $0x80  }
0x65: {  	[sflag:s14] =	ssyncset.done $0x0  }
0x66: {  	s23 =	sadd.s32 $0x2A80, s22;
	[sflag:s14] =	ssyncadd.s32 $0xFFFFFF80  }
0x67: {  	[spmem:s2] =	stream.indirect.scatter.add.f32 [tilespmem:s10], [sflag:$0x2], $0x1, s23, s9, $0xb8;
	[tilespmem:$0x2F80] =	vst v63  }
0x68: {  	_ =	swait.ge [sflag:s15], $0x80  }
0x69: {  	[sflag:s15] =	ssyncset.done $0x0  }
.Ltmp0:
0x6a: {  	s23 =	sadd.s32 $0x2B00, s22;
	[sflag:s15] =	ssyncadd.s32 $0xFFFFFF80;
	(pc) =	sbr.rel @p0 .LBB2_2-.Ltmp0, $4  }
0x6b: {  	[spmem:s2] =	stream.indirect.scatter.add.f32 [tilespmem:s10], [sflag:$0x3], $0x1, s23, s9, $0xb8;
	[tilespmem:$0x2F80] =	vst v63  }
0x6c: {  	_ =	swait.ge [sflag:s16], $0x80  }
0x6d: {  	[sflag:s16] =	ssyncset.done $0x0  }
0x6e: {  	s22 =	sadd.s32 $0x2B80, s22;
	[sflag:s16] =	ssyncadd.s32 $0xFFFFFF80  }
0x6f: {  	[spmem:s2] =	stream.indirect.scatter.add.f32 [tilespmem:s10], [sflag:$0x4], $0x1, s22, s9, $0xb8;
	[tilespmem:$0x2F80] =	vst v63  }
0x70: {  	_ =	swait.ge [sflag:s13], $0x80  }
0x71: {  	[sflag:s13] =	ssyncset.done $0x0  }
0x72: {  	[sflag:s13] =	ssyncadd.s32 $0xFFFFFF80  }
0x73: {  	_ =	swait.ge [sflag:s14], $0x80  }
0x74: {  	[sflag:s14] =	ssyncset.done $0x0  }
0x75: {  	[sflag:s14] =	ssyncadd.s32 $0xFFFFFF80  }
0x76: {  	_ =	swait.ge [sflag:s15], $0x80  }
0x77: {  	[sflag:s15] =	ssyncset.done $0x0  }
0x78: {  	[sflag:s15] =	ssyncadd.s32 $0xFFFFFF80  }
0x79: {  	_ =	swait.ge [sflag:s16], $0x80  }
0x7a: {  	s20 =	sadd.s32 $0x1, s20;
	[sflag:s16] =	ssyncset.done $0x0  }
0x7b: {  	p0 =	sne.s32 s20, s5;
	[sflag:s16] =	ssyncadd.s32 $0xFFFFFF80  }
.Ltmp1:
0x7c: {  	[bflag:$0x0] =	sbarrier.arrive $0xFFFF;
	(pc) =	sbr.rel @p0 .LBB2_1-.Ltmp1, $4  }
0x7d: {  	[hbm:s17], [sflag:s18] =	dma.local [spmem:s19], $0x50  }
0x7e: {  	_ =	swait.ge [sflag:s7], $0x50  }
0x7f: {  	[sflag:s7] =	ssyncset.done $0x0  }
0x80: {  	[sflag:s7] =	ssyncadd.s32 $0xFFFFFFB0  }
0x81: {  	_ =	sfence.sel $0x180000  }
0x82: {  	[bflag:$0x0] =	sbarrier.arrive $0xFFFF  }
0x83: {  	p0 =	sne.s32 s0, $0x0;
	_ =	strace $0x90000047  }
0x84: {  	s0 =	sadd.s32 @!p0 $0x100000, s1;
	[bflag:$0x2] =	sbarrier.arrive $0xFFFF  }
0x85: {  	[sflag:s0] =	ssyncadd.tile.s32 @!p0 $0x1;
	_ =	shalt  }
.Lfunc_end2:
_tile_overlayer_lowered:
.L_overlay_start_2:
0x86: {  	(tag) =	ssettag $0x2  }
0x87: {  	s0 =	rddreg [dreg:$0x0];
	s2 =	stileid.u32  }
0x88: {  	s1 =	rddreg [dreg:$0x1];
	p0 =	sne.s32 s2, $0x0  }
0x89: {  	s3 =	rddreg [dreg:$0x2];
	[bflag:$0x3] =	sbarrier.arrive $0xFFFF;
	s2 =	simm.s32 @!p0 $0x1C05  }
0x8a: {  	[timem:s3], [sflag:s2] =	dma.local @!p0 [hbm:s0], s1  }
0x8b: {  	s0 =	simm.s32 @!p0 $0x5  }
0x8c: {  	_ =	swait.ge @!p0 [sflag:s0], s1  }
0x8d: {  	s1 =	ssub.s32 @!p0 $0x0, s1;
	[sflag:s0] =	ssyncset.done @!p0 $0x0  }
0x8e: {  	[sflag:s0] =	ssyncadd.s32 @!p0 s1  }
0x8f: {  	[bflag:$0x3] =	sbarrier.arrive $0xFFFF  }
0x90: {  	_ =	shalt  }

// kernel: kernel.9.cloned.1.call-start
scs
__scs_entry_jumppad:
0x0: {  	(pc) =	sbr.rel $0x88, $3  }
0x1: {  	(tag) =	ssettag $0x0;
	lr =	simm.s32 $0x1  }
0x2: {  	[smem:$0x3F9D] =	sst lr;
	_ =	strace $0xD0000000  }
0x3: {  	_ = 	snop  }
0x4: {  	_ = 	snop  }
0x5: {  	_ = 	snop  }
0x6: {  	_ = 	snop  }
0x7: {  	_ = 	snop  }
__scs_overlays_trampoline_lowered:
0x8: {  	[smem:$0x3FAC] =	sst s0  }
0x9: {  	[smem:$0x3FAD] =	sst s1  }
0xa: {  	[smem:$0x3FAE] =	sst s2  }
0xb: {  	[smem:$0x3FAF] =	sst s3  }
0xc: {  	[smem:$0x3FB0] =	sst s4  }
0xd: {  	[smem:$0x3FB1] =	sst s5  }
0xe: {  	[smem:$0x3FB2] =	sst s6  }
0xf: {  	[smem:$0x3FB3] =	sst s7  }
0x10: {  	[smem:$0x3FB4] =	sst s8  }
0x11: {  	[smem:$0x3FB5] =	sst s9;
	s0 =	simm.s32 @!p0 $0x0  }
0x12: {  	s1 =	sld [smem:$0x3F9B];
	s0 =	simm.s32 @p0 $0x1  }
0x13: {  	[smem:$0x3FB6] =	sst s0;
	s0 =	simm.s32 @!p1 $0x0  }
0x14: {  	s2 =	sld [smem:$0x3F9A];
	s0 =	simm.s32 @p1 $0x1  }
0x15: {  	[smem:$0x3FB7] =	sst s0;
	s0 =	simm.s32 @!p2 $0x0  }
0x16: {  	s3 =	sld [smem:$0x3FDB];
	s0 =	simm.s32 @p2 $0x1  }
0x17: {  	s4 =	simm.s32 $0x1BF5;
	[smem:$0x3FB9] =	sst s0  }
0x18: {  	s0 =	sld [smem:$0x3F9C];
	_ =	swait.ge [sflag:s4], $0x0  }
0x19: {  	s7 =	sld [smem:$0x3F9D]  }
0x1a: {  	s8 =	sadd.s32 $0xFFFFE003, lr  }
0x1b: {  	s9 =	sadd.s32 $0xFFFFFEF7, lr;
	s5 =	simm.s32 $0xFFFFFFFF;
	p2 =	slt.u32 s8, $0xFFFFF086  }
0x1c: {  	p1 =	slt.u32 s9, $0xF7A;
	s5 =	simm.s32 @!p2 $0x0  }
0x1d: {  	s5 =	simm.s32 @p1 $0x1;
	p0 =	seq.s32 s7, s2  }
0x1e: {  	s7 =	smul.u32 @!p0 $0xF7A, s2;
	p2 =	seq.s32 @!p0 s5, $0x0  }
0x1f: {  	s9 =	smul.u32 $0xF7A, s1;
	s8 =	simm.s32 @!p0 $0x1BF5;
	p2 =	por !p2, p0  }
0x20: {  	[sflag:s8] =	ssyncset.s32 @!p0 $0xFFFFF086;
	s6 =	sadd.s32 @!p0 s3, s7;
	s7 =	simm.s32 @!p0 $0x108  }
0x21: {  	s3 =	sadd.s32 s3, s9;
	s6 =	sadd.s32 @!p0 $0x88, s6;
	s7 =	simm.s32 @p2 $0x1082  }
0x22: {  	[simem:s7], [sflag:s8] =	dma.local @!p0 [hbm:s6], $0xF7A  }
0x23: {  	s9 =	sor.u32 $0xD0000000, s2;
	s6 =	simm.s32 $0x108;
	_ =	swait.ge @!p0 [sflag:s8], $0x0  }
0x24: {  	s3 =	sadd.s32 $0x88, s3;
	s6 =	simm.s32 @!p1 $0x1082;
	[sflag:s4] =	ssyncset.s32 $0xFFFFF086  }
0x25: {  	[simem:s6], [sflag:s4] =	dma.local [hbm:s3], $0xF7A  }
0x26: {  	[smem:$0x3F9D] =	sst s1;
	(tag) =	ssettag s2;
	_ =	strace s9  }
0x27: {  	s1 =	sld [smem:$0x3FAD]  }
0x28: {  	s2 =	sld [smem:$0x3FAE]  }
0x29: {  	s4 =	sld [smem:$0x3FB0]  }
0x2a: {  	p0 =	seq.s32 s5, $0x0;
	s5 =	sld [smem:$0x3FB1]  }
0x2b: {  	s6 =	sld [smem:$0x3FB2]  }
0x2c: {  	s7 =	sld [smem:$0x3FB3]  }
0x2d: {  	s3 =	simm.s32 $0x108;
	s8 =	sld [smem:$0x3FB4]  }
0x2e: {  	s3 =	simm.s32 @!p0 $0x1082;
	s9 =	sld [smem:$0x3FB5]  }
0x2f: {  	lr =	sadd.s32 s0, s3;
	s0 =	sld [smem:$0x3FAC]  }
0x30: {  	s3 =	sld [smem:$0x3FAF]  }
0x31: {  	[smem:$0x3FB8] =	sst s10  }
0x32: {  	s10 =	sld [smem:$0x3FB6];
	_ =	sdelay $0x3  }
0x33: {  	p0 =	seq.s32 s10, $0x1;
	s10 =	sld [smem:$0x3FB8];
	_ =	sdelay $0x3  }
0x34: {  	[smem:$0x3FB8] =	sst s10  }
0x35: {  	s10 =	sld [smem:$0x3FB7];
	_ =	sdelay $0x3  }
0x36: {  	p1 =	seq.s32 s10, $0x1;
	s10 =	sld [smem:$0x3FB8];
	_ =	sdelay $0x3  }
0x37: {  	[smem:$0x3FB8] =	sst s10  }
0x38: {  	s10 =	sld [smem:$0x3FB9]  }
0x39: {  	_ = 	snop;
	(pc) =	sbr.ind lr, $3  }
0x3a: {  	_ = 	snop  }
0x3b: {  	_ = 	snop  }
0x3c: {  	p2 =	seq.s32 s10, $0x1;
	s10 =	sld [smem:$0x3FB8]  }
0x3d: {  	_ =	shalt  }
0x3e: {  	_ =	shalt  }
0x3f: {  	_ =	shalt  }
0x40: {  	_ =	shalt  }
0x41: {  	_ =	shalt  }
0x42: {  	_ =	shalt  }
0x43: {  	_ =	shalt  }
0x44: {  	_ =	shalt  }
0x45: {  	_ =	shalt  }
0x46: {  	_ =	shalt  }
0x47: {  	_ =	shalt  }
0x48: {  	_ =	shalt  }
0x49: {  	_ =	shalt  }
0x4a: {  	_ =	shalt  }
0x4b: {  	_ =	shalt  }
0x4c: {  	_ =	shalt  }
0x4d: {  	_ =	shalt  }
0x4e: {  	_ =	shalt  }
0x4f: {  	_ =	shalt  }
0x50: {  	_ =	shalt  }
0x51: {  	_ =	shalt  }
0x52: {  	_ =	shalt  }
0x53: {  	_ =	shalt  }
0x54: {  	_ =	shalt  }
0x55: {  	_ =	shalt  }
0x56: {  	_ =	shalt  }
0x57: {  	_ =	shalt  }
0x58: {  	_ =	shalt  }
0x59: {  	_ =	shalt  }
0x5a: {  	_ =	shalt  }
0x5b: {  	_ =	shalt  }
0x5c: {  	_ =	shalt  }
0x5d: {  	_ =	shalt  }
0x5e: {  	_ =	shalt  }
0x5f: {  	_ =	shalt  }
0x60: {  	_ =	shalt  }
0x61: {  	_ =	shalt  }
0x62: {  	_ =	shalt  }
0x63: {  	_ =	shalt  }
0x64: {  	_ =	shalt  }
0x65: {  	_ =	shalt  }
0x66: {  	_ =	shalt  }
0x67: {  	_ =	shalt  }
0x68: {  	_ =	shalt  }
0x69: {  	_ =	shalt  }
0x6a: {  	_ =	shalt  }
0x6b: {  	_ =	shalt  }
0x6c: {  	_ =	shalt  }
0x6d: {  	_ =	shalt  }
0x6e: {  	_ =	shalt  }
0x6f: {  	_ =	shalt  }
0x70: {  	_ =	shalt  }
0x71: {  	_ =	shalt  }
0x72: {  	_ =	shalt  }
0x73: {  	_ =	shalt  }
0x74: {  	_ =	shalt  }
0x75: {  	_ =	shalt  }
0x76: {  	_ =	shalt  }
0x77: {  	_ =	shalt  }
0x78: {  	_ =	shalt  }
0x79: {  	_ =	shalt  }
0x7a: {  	_ =	shalt  }
0x7b: {  	_ =	shalt  }
0x7c: {  	_ =	shalt  }
0x7d: {  	_ =	shalt  }
0x7e: {  	_ =	shalt  }
0x7f: {  	_ =	shalt  }
0x80: {  	_ =	shalt  }
0x81: {  	_ =	shalt  }
0x82: {  	_ =	shalt  }
0x83: {  	_ =	shalt  }
0x84: {  	_ =	shalt  }
0x85: {  	_ =	shalt  }
0x86: {  	_ =	shalt  }
0x87: {  	_ =	shalt  }
.Lfunc_end0:
.L_simem_size_0:
called_computation.1_lowered:
.L_overlay_start_0:
0x88: {  	s2 =	sld [smem:$0x3FD9]  }
0x89: {  	s3 =	sld [smem:$0x3FFE];
	_ =	sdelay $0x1  }
0x8a: {  	s1 =	srdreg.scid  }
0x8b: {  	s0 =	sand.u32 $0x1, s1  }
0x8c: {  	s17 =	sshll.u32 s0, $0xA;
	s2 =	sadd.s32 s3, s2  }
0x8d: {  	s2 =	sadd.s32 s2, s17  }
0x8e: {  	[smem:$0x3FC4] =	sst s2  }
0x8f: {  	_ = 	snop  }
0x90: {  	s2 =	sld [smem:$0x3FD0];
	(tm) =	ssettm $0x1  }
0x91: {  	s18 =	sld [smem:$0x3FFB];
	_ =	sdelay $0x3  }
0x92: {  	_ =	strace s18  }
0x93: {  	s3 =	sld [smem:$0x3FFC];
	_ =	sdelay $0x3  }
0x94: {  	_ =	strace s3  }
0x95: {  	s3 =	sld [smem:$0x3FFD];
	_ =	sdelay $0x3  }
0x96: {  	_ =	strace s3  }
0x97: {  	_ =	strace $0x8FFFFFFF  }
0x98: {  	s19 =	sld [smem:$0x3FDB];
	_ =	sdelay $0x1  }
0x99: {  	s4 =	simm.s32 $_scs_section_size  }
0x9a: {  	s5 =	simm.s32 $_size__tile_overlayer_lowered;
	s6 =	simm.s32 $_tile_overlayer_lowered  }
0x9b: {  	s22 =	simm.s32 $0x1BFF;
	s21 =	sshll.u32 s6, $0x1;
	s3 =	sadd.s32 s4, s19  }
0x9c: {  	s7 =	simm.s32 $0x0;
	s20 =	sshll.u32 s5, $0x1;
	s5 =	sadd.s32 s21, s3  }
0x9d: {  	[timem:s7], [sflag:s22] =	dma.local [hbm:s5], s20  }
0x9e: {  	_ =	swait.ge [sflag:s22], s20  }
0x9f: {  	s4 =	ssub.s32 $0x0, s20;
	[sflag:s22] =	ssyncset.done $0x0  }
0xa0: {  	[sflag:s22] =	ssyncadd.s32 s4;
	_ =	sdelay $0x1  }
0xa1: {  	s23 =	simm.s32 $0x1B8B  }
0xa2: {  	_ =	swait.ge [sflag:s23], $0x1  }
0xa3: {  	[sflag:s23] =	ssyncset.done $0x0  }
0xa4: {  	s25 =	simm.s32 $0x1B8E;
	s24 =	sld [smem:$0x3FFE];
	[sflag:s23] =	ssyncadd.s32 $0xFFFFFFFF  }
0xa5: {  	s26 =	simm.s32 $execute0_lowered;
	[smem:$0x3FD2] =	sst s25  }
0xa6: {  	s5 =	sshll.u32 s26, $0x1;
	_ =	strace $0x80000049;
	[dreg:$0x1] =	wrdreg $0xFFFFFFFF  }
0xa7: {  	s28 =	simm.s32 $_size_execute0_lowered;
	s3 =	sadd.s32 s3, s5;
	[dreg:$0x0] =	wrdreg $0x0  }
0xa8: {  	s5 =	sshll.u32 s28, $0x1;
	[dreg:$0x2] =	wrdreg s3  }
0xa9: {  	[dreg:$0x3] =	wrdreg s5  }
0xaa: {  	[dreg:$0x4] =	wrdreg $0xC0  }
0xab: {  	_ =	task [dreg:s7], $0x5FFFF  }
0xac: {  	[dreg:$0x1] =	wrdreg $0xFFFFFFFF  }
0xad: {  	[dreg:$0x0] =	wrdreg $0x60  }
0xae: {  	[dreg:$0x2] =	wrdreg s2  }
0xaf: {  	[dreg:$0x3] =	wrdreg s24  }
0xb0: {  	[dreg:$0x4] =	wrdreg $0x128000  }
0xb1: {  	[dreg:$0x5] =	wrdreg $0x9  }
0xb2: {  	_ =	task.clear_ibuf [dreg:s7], $0x6FFFF;
	_ =	strace $0x90000049  }
0xb3: {  	s29 =	simm.s32 $0x9;
	_ =	strace $0x8000004B  }
0xb4: {  	_ =	swait.ge [sflag:s29], $0x1  }
0xb5: {  	[sflag:s29] =	ssyncadd.s32 $0xFFFFFFFF  }
0xb6: {  	_ =	strace $0x9000004B  }
0xb7: {  	_ =	sfence  }
0xb8: {  	s30 =	sld [smem:$0x0];
	_ =	sdelay $0x2  }
0xb9: {  	s31 =	sshll.u32 s1, $0xD;
	s1 =	sshrl.u32 s1, $0x2  }
0xba: {  	s3 =	sand.u32 $0x4000, s31;
	s1 =	sadd.s32 s1, s30  }
0xbb: {  	s0 =	sor.u32 s3, s0;
	s1 =	sshll.u32 s1, $0x11  }
0xbc: {  	s0 =	sor.u32 s1, s0  }
0xbd: {  	s0 =	sadd.s32 $0x8F2B, s0  }
0xbe: {  	[sflag:s0] =	ssyncadd.remote.s32 $0x1  }
0xbf: {  	_ =	sfence.sel $0xFFFF  }
0xc0: {  	[dreg:$0x0] =	wrdreg $0xFFFFFFFF;
	(pc) =	sbr.abs _section_cstart, $3  }
0xc1: {  	[dreg:$0x1] =	wrdreg $0xFFFFFFFF  }
0xc2: {  	_ =	task.clear_ibuf [dreg:s7], $0x2FFFF;
	_ =	strace $0x9FFFFFFF  }
0xc3: {  	(tm) =	ssettm $0x7FFFFFFF  }
tec
execute0_lowered:
.L_overlay_start_1:
0x0: {  	(tag) =	ssettag $0x1  }
0x1: {  	s0 =	rddreg [dreg:$0x0]  }
0x2: {  	s1 =	rddreg [dreg:$0x1]  }
0x3: {  	s2 =	rddreg [dreg:$0x2];
	s3 =	simm.s32 $0x0;
	s11 =	stileid.u32  }
0x4: {  	s4 =	srdreg.scid;
	s15 =	simm.s32 $0x5400;
	s16 =	simm.s32 $0x80  }
0x5: {  	s17 =	simm.s32 $0xC800;
	s19 =	simm.s32 $0xE800;
	s21 =	simm.s32 $0x10800  }
0x6: {  	s22 =	simm.s32 $0x1;
	s23 =	simm.s32 $0x5;
	s30 =	simm.s32 $0x3  }
0x7: {  	s28 =	simm.s32 $0xA680;
	s29 =	simm.s32 $0xA700;
	s14 =	smul.u32 $0xA80, s11  }
0x8: {  	s31 =	simm.s32 $0xA780;
	[smem:$0x7FF] =	sst s3;
	s8 =	smul.u32 $0x28000, s11  }
0x9: {  	s6 =	sand.u32 $0x1, s4;
	s4 =	sadd.s32 $0xC000, s1;
	s11 =	smul.u32 $0xA000, s11  }
0xa: {  	_ =	strace $0x8000004A;
	s5 =	smul.u32 $0x14000, s6;
	s7 =	ssub.s32 $0x2, s6  }
0xb: {  	s13 =	smul.u32 $0xA800, s6;
	s10 =	sadd.s32 s14, s1;
	s9 =	sshrl.u32 s7, $0x1  }
0xc: {  	s25 =	sshrl.u32 s8, $0x2;
	s18 =	sshrl.u32 s11, $0x3;
	s1 =	sadd.s32 s5, s1  }
0xd: {  	s12 =	ssub.s32 s7, s9;
	s5 =	sadd.s32 s11, s2;
	s26 =	sadd.s32 s25, s2  }
0xe: {  	s0 =	sadd.s32 s0, s13;
	s10 =	sadd.s32 $0x1800, s10;
	s13 =	simm.s32 $0x6  }
0xf: {  	s25 =	simm.s32 $0xA600;
	s6 =	sadd.s32 $0x2000, s26;
	s7 =	sadd.s32 $0x4000, s26  }
0x10: {  	s8 =	sadd.s32 $0x6000, s26;
	s9 =	sadd.s32 $0x8000, s26;
	s1 =	sadd.s32 $0x34000, s1  }
0x11: {  	s11 =	smax.u32 s12, $0x1;
	s12 =	simm.s32 $0xA800;
	s14 =	sadd.s32 s14, s0  }
0x12: {  	v0 =	vimm.f32 $0.0e+00;
	s26 =	simm.s32 $0x2;
	s24 =	sadd.s32 s18, s1;
	s1 =	simm.s32 $0x4  }
.LBB2_1:
0x13: {  	s18 =	simm.s32 $0x100;
	s0 =	simm.s32 $0x0  }
.LBB2_2:
0x14: {  	p0 =	sne.s32 s18, $0x7F00;
	[tilespmem:s0+$0xA830] =	vst v0;
	s20 =	smov.u32 s18;
	s18 =	sadd.s32 $0x100, s18  }
.Ltmp0:
0x15: {  	[tilespmem:s0+$0xA820] =	vst v0;
	(pc) =	sbr.rel @p0 .LBB2_2-.Ltmp0, $3  }
0x16: {  	[tilespmem:s0+$0xA800] =	vst v0  }
0x17: {  	[tilespmem:s0+$0xA810] =	vst v0;
	_ =	sdelay $0x1  }
0x18: {  	s0 =	sshra.s32 s20, $0x2  }
0x19: {  	[tilespmem:s0+$0xA830] =	vst v0  }
0x1a: {  	[tilespmem:s0+$0xA820] =	vst v0  }
0x1b: {  	[tilespmem:s0+$0xA800] =	vst v0  }
0x1c: {  	[tilespmem:s0+$0xA810] =	vst v0  }
0x1d: {  	[spmem:s5] =	stream.linear.scatter [tilespmem:s12], [sflag:$0x6], $0x2000, $0x38;
	[tilespmem:$0x1C800] =	vst v63  }
0x1e: {  	_ =	swait.ge [sflag:s13], $0x2000  }
0x1f: {  	[sflag:s13] =	ssyncset.done $0x0  }
0x20: {  	[sflag:s13] =	ssyncadd.s32 $0xFFFFE000  }
0x21: {  	[spmem:s6] =	stream.linear.scatter [tilespmem:s12], [sflag:$0x6], $0x2000, $0x38;
	[tilespmem:$0x1C800] =	vst v63  }
0x22: {  	_ =	swait.ge [sflag:s13], $0x2000  }
0x23: {  	[sflag:s13] =	ssyncset.done $0x0  }
0x24: {  	[sflag:s13] =	ssyncadd.s32 $0xFFFFE000  }
0x25: {  	[spmem:s7] =	stream.linear.scatter [tilespmem:s12], [sflag:$0x6], $0x2000, $0x38;
	[tilespmem:$0x1C800] =	vst v63  }
0x26: {  	_ =	swait.ge [sflag:s13], $0x2000  }
0x27: {  	[sflag:s13] =	ssyncset.done $0x0  }
0x28: {  	[sflag:s13] =	ssyncadd.s32 $0xFFFFE000  }
0x29: {  	[spmem:s8] =	stream.linear.scatter [tilespmem:s12], [sflag:$0x6], $0x2000, $0x38;
	[tilespmem:$0x1C800] =	vst v63  }
0x2a: {  	_ =	swait.ge [sflag:s13], $0x2000  }
0x2b: {  	[sflag:s13] =	ssyncset.done $0x0  }
0x2c: {  	[sflag:s13] =	ssyncadd.s32 $0xFFFFE000  }
0x2d: {  	[spmem:s9] =	stream.linear.scatter [tilespmem:s12], [sflag:$0x6], $0x2000, $0x38;
	[tilespmem:$0x1C800] =	vst v63  }
0x2e: {  	_ =	swait.ge [sflag:s13], $0x2000  }
0x2f: {  	[sflag:s13] =	ssyncset.done $0x0  }
0x30: {  	s18 =	simm.s32 $0x0;
	[sflag:s13] =	ssyncadd.s32 $0xFFFFE000  }
0x31: {  	[tilespmem:s18], [sflag:$0x6] =	stream.linear.gather [hbm4b:s14+s18], $0x5400, $0x38;
	[tilespmem:$0x1C800] =	vst v63  }
0x32: {  	_ =	swait.ge [sflag:s13], $0x5400  }
0x33: {  	[sflag:s13] =	ssyncset.done $0x0  }
0x34: {  	[sflag:s13] =	ssyncadd.s32 $0xFFFFAC00  }
0x35: {  	[tilespmem:s15], [sflag:$0x6] =	stream.linear.gather [hbm4b:s10+s18], $0x5400, $0x38;
	[tilespmem:$0x1C800] =	vst v63  }
0x36: {  	_ =	swait.ge [sflag:s13], $0x5400  }
0x37: {  	[sflag:s13] =	ssyncset.done $0x0  }
0x38: {  	[sflag:s13] =	ssyncadd.s32 $0xFFFFAC00  }
0x39: {  	[bflag:$0x0] =	sbarrier.arrive $0xFFFF  }
0x3a: {  	[tilespmem:s12], [sflag:$0x1] =	stream.indirect.gather [hbm4b:s4+s16], $0x40, s18, s16, $0xb8;
	[tilespmem:$0x1C800] =	vst v63  }
0x3b: {  	_ = 	snop  }
0x3c: {  	[tilespmem:s17], [sflag:$0x2] =	stream.indirect.gather [hbm4b:s4+s16], $0x40, s16, s16, $0xb8;
	[tilespmem:$0x1C800] =	vst v63  }
0x3d: {  	s20 =	simm.s32 $0x100  }
0x3e: {  	[tilespmem:s19], [sflag:$0x3] =	stream.indirect.gather [hbm4b:s4+s16], $0x40, s20, s16, $0xb8;
	[tilespmem:$0x1C800] =	vst v63  }
0x3f: {  	s18 =	simm.s32 $0x180  }
0x40: {  	[tilespmem:s21], [sflag:$0x4] =	stream.indirect.gather [hbm4b:s4+s16], $0x40, s18, s16, $0xb8;
	[tilespmem:$0x1C800] =	vst v63  }
0x41: {  	_ =	swait.ge [sflag:s22], $0x2000  }
0x42: {  	[sflag:s22] =	ssyncset.done $0x0  }
0x43: {  	[sflag:s22] =	ssyncadd.s32 $0xFFFFE000  }
0x44: {  	[spmem:s2] =	stream.indirect.scatter.add.f32 [tilespmem:s12], [sflag:$0x5], $0x40, s15, s16, $0xb8;
	[tilespmem:$0x1C800] =	vst v63  }
0x45: {  	_ =	swait.ge [sflag:s23], $0x2000  }
0x46: {  	[sflag:s23] =	ssyncset.done $0x0  }
0x47: {  	s20 =	simm.s32 $0x200;
	[sflag:s23] =	ssyncadd.s32 $0xFFFFE000  }
0x48: {  	[tilespmem:s12], [sflag:$0x1] =	stream.indirect.gather [hbm4b:s4+s16], $0x40, s20, s16, $0xb8;
	[tilespmem:$0x1C800] =	vst v63  }
0x49: {  	_ =	swait.ge [sflag:s26], $0x2000  }
0x4a: {  	[sflag:s26] =	ssyncset.done $0x0  }
0x4b: {  	s18 =	simm.s32 $0x5480;
	[sflag:s26] =	ssyncadd.s32 $0xFFFFE000  }
0x4c: {  	[spmem:s2] =	stream.indirect.scatter.add.f32 [tilespmem:s17], [sflag:$0x5], $0x40, s18, s16, $0xb8;
	[tilespmem:$0x1C800] =	vst v63  }
0x4d: {  	_ =	swait.ge [sflag:s23], $0x2000  }
0x4e: {  	[sflag:s23] =	ssyncset.done $0x0  }
0x4f: {  	s20 =	simm.s32 $0x280;
	[sflag:s23] =	ssyncadd.s32 $0xFFFFE000  }
0x50: {  	[tilespmem:s17], [sflag:$0x2] =	stream.indirect.gather [hbm4b:s4+s16], $0x40, s20, s16, $0xb8;
	[tilespmem:$0x1C800] =	vst v63  }
0x51: {  	_ =	swait.ge [sflag:s30], $0x2000  }
0x52: {  	[sflag:s30] =	ssyncset.done $0x0  }
0x53: {  	s18 =	simm.s32 $0x5500;
	[sflag:s30] =	ssyncadd.s32 $0xFFFFE000  }
0x54: {  	[spmem:s2] =	stream.indirect.scatter.add.f32 [tilespmem:s19], [sflag:$0x5], $0x40, s18, s16, $0xb8;
	[tilespmem:$0x1C800] =	vst v63  }
0x55: {  	_ =	swait.ge [sflag:s23], $0x2000  }
0x56: {  	[sflag:s23] =	ssyncset.done $0x0  }
0x57: {  	s20 =	simm.s32 $0x300;
	[sflag:s23] =	ssyncadd.s32 $0xFFFFE000  }
0x58: {  	[tilespmem:s19], [sflag:$0x3] =	stream.indirect.gather [hbm4b:s4+s16], $0x40, s20, s16, $0xb8;
	[tilespmem:$0x1C800] =	vst v63  }
0x59: {  	_ =	swait.ge [sflag:s1], $0x2000  }
0x5a: {  	[sflag:s1] =	ssyncset.done $0x0  }
0x5b: {  	s18 =	simm.s32 $0x5580;
	[sflag:s1] =	ssyncadd.s32 $0xFFFFE000  }
0x5c: {  	[spmem:s2] =	stream.indirect.scatter.add.f32 [tilespmem:s21], [sflag:$0x5], $0x40, s18, s16, $0xb8;
	[tilespmem:$0x1C800] =	vst v63  }
0x5d: {  	_ =	swait.ge [sflag:s23], $0x2000  }
0x5e: {  	[sflag:s23] =	ssyncset.done $0x0  }
0x5f: {  	s20 =	simm.s32 $0x380;
	[sflag:s23] =	ssyncadd.s32 $0xFFFFE000  }
0x60: {  	[tilespmem:s21], [sflag:$0x4] =	stream.indirect.gather [hbm4b:s4+s16], $0x40, s20, s16, $0xb8;
	[tilespmem:$0x1C800] =	vst v63  }
0x61: {  	_ =	swait.ge [sflag:s22], $0x2000  }
0x62: {  	[sflag:s22] =	ssyncset.done $0x0  }
0x63: {  	s18 =	simm.s32 $0x5600;
	[sflag:s22] =	ssyncadd.s32 $0xFFFFE000  }
0x64: {  	[spmem:s2] =	stream.indirect.scatter.add.f32 [tilespmem:s12], [sflag:$0x5], $0x40, s18, s16, $0xb8;
	[tilespmem:$0x1C800] =	vst v63  }
0x65: {  	_ =	swait.ge [sflag:s23], $0x2000  }
0x66: {  	[sflag:s23] =	ssyncset.done $0x0  }
0x67: {  	s20 =	simm.s32 $0x400;
	[sflag:s23] =	ssyncadd.s32 $0xFFFFE000  }
0x68: {  	[tilespmem:s12], [sflag:$0x1] =	stream.indirect.gather [hbm4b:s4+s16], $0x40, s20, s16, $0xb8;
	[tilespmem:$0x1C800] =	vst v63  }
0x69: {  	_ =	swait.ge [sflag:s26], $0x2000  }
0x6a: {  	[sflag:s26] =	ssyncset.done $0x0  }
0x6b: {  	s18 =	simm.s32 $0x5680;
	[sflag:s26] =	ssyncadd.s32 $0xFFFFE000  }
0x6c: {  	[spmem:s2] =	stream.indirect.scatter.add.f32 [tilespmem:s17], [sflag:$0x5], $0x40, s18, s16, $0xb8;
	[tilespmem:$0x1C800] =	vst v63  }
0x6d: {  	_ =	swait.ge [sflag:s23], $0x2000  }
0x6e: {  	[sflag:s23] =	ssyncset.done $0x0  }
0x6f: {  	s20 =	simm.s32 $0x480;
	[sflag:s23] =	ssyncadd.s32 $0xFFFFE000  }
0x70: {  	[tilespmem:s17], [sflag:$0x2] =	stream.indirect.gather [hbm4b:s4+s16], $0x40, s20, s16, $0xb8;
	[tilespmem:$0x1C800] =	vst v63  }
0x71: {  	_ =	swait.ge [sflag:s30], $0x2000  }
0x72: {  	[sflag:s30] =	ssyncset.done $0x0  }
0x73: {  	s18 =	simm.s32 $0x5700;
	[sflag:s30] =	ssyncadd.s32 $0xFFFFE000  }
0x74: {  	[spmem:s2] =	stream.indirect.scatter.add.f32 [tilespmem:s19], [sflag:$0x5], $0x40, s18, s16, $0xb8;
	[tilespmem:$0x1C800] =	vst v63  }
0x75: {  	_ =	swait.ge [sflag:s23], $0x2000  }
0x76: {  	[sflag:s23] =	ssyncset.done $0x0  }
0x77: {  	s20 =	simm.s32 $0x500;
	[sflag:s23] =	ssyncadd.s32 $0xFFFFE000  }
0x78: {  	[tilespmem:s19], [sflag:$0x3] =	stream.indirect.gather [hbm4b:s4+s16], $0x40, s20, s16, $0xb8;
	[tilespmem:$0x1C800] =	vst v63  }
0x79: {  	_ =	swait.ge [sflag:s1], $0x2000  }
0x7a: {  	[sflag:s1] =	ssyncset.done $0x0  }
0x7b: {  	s0 =	simm.s32 $0x800;
	s18 =	simm.s32 $0x5780;
	[sflag:s1] =	ssyncadd.s32 $0xFFFFE000  }
.LBB2_4:
0x7c: {  	[spmem:s2] =	stream.indirect.scatter.add.f32 [tilespmem:s21], [sflag:$0x5], $0x40, s18, s16, $0xb8;
	[tilespmem:$0x1C800] =	vst v63  }
0x7d: {  	s18 =	smov.u32 s0  }
0x7e: {  	p0 =	sne.s32 s0, $0x13800;
	s0 =	sadd.s32 $0x800, s0;
	_ =	swait.ge [sflag:s23], $0x2000  }
0x7f: {  	s18 =	sshra.s32 s18, $0x2;
	[sflag:s23] =	ssyncset.done $0x0  }
0x80: {  	s20 =	sadd.s32 $0x380, s18;
	[sflag:s23] =	ssyncadd.s32 $0xFFFFE000  }
0x81: {  	[tilespmem:s21], [sflag:$0x4] =	stream.indirect.gather [hbm4b:s4+s16], $0x40, s20, s16, $0xb8;
	[tilespmem:$0x1C800] =	vst v63  }
0x82: {  	_ =	swait.ge [sflag:s22], $0x2000  }
0x83: {  	[sflag:s22] =	ssyncset.done $0x0  }
0x84: {  	s20 =	sadd.s32 $0x5600, s18;
	[sflag:s22] =	ssyncadd.s32 $0xFFFFE000  }
0x85: {  	[spmem:s2] =	stream.indirect.scatter.add.f32 [tilespmem:s12], [sflag:$0x5], $0x40, s20, s16, $0xb8;
	[tilespmem:$0x1C800] =	vst v63  }
0x86: {  	_ =	swait.ge [sflag:s23], $0x2000  }
0x87: {  	[sflag:s23] =	ssyncset.done $0x0  }
0x88: {  	s20 =	sadd.s32 $0x400, s18;
	[sflag:s23] =	ssyncadd.s32 $0xFFFFE000  }
0x89: {  	[tilespmem:s12], [sflag:$0x1] =	stream.indirect.gather [hbm4b:s4+s16], $0x40, s20, s16, $0xb8;
	[tilespmem:$0x1C800] =	vst v63  }
0x8a: {  	_ =	swait.ge [sflag:s26], $0x2000  }
0x8b: {  	[sflag:s26] =	ssyncset.done $0x0  }
0x8c: {  	s20 =	sadd.s32 $0x5680, s18;
	[sflag:s26] =	ssyncadd.s32 $0xFFFFE000  }
0x8d: {  	[spmem:s2] =	stream.indirect.scatter.add.f32 [tilespmem:s17], [sflag:$0x5], $0x40, s20, s16, $0xb8;
	[tilespmem:$0x1C800] =	vst v63  }
0x8e: {  	_ =	swait.ge [sflag:s23], $0x2000  }
0x8f: {  	[sflag:s23] =	ssyncset.done $0x0  }
0x90: {  	s20 =	sadd.s32 $0x480, s18;
	[sflag:s23] =	ssyncadd.s32 $0xFFFFE000  }
0x91: {  	[tilespmem:s17], [sflag:$0x2] =	stream.indirect.gather [hbm4b:s4+s16], $0x40, s20, s16, $0xb8;
	[tilespmem:$0x1C800] =	vst v63  }
0x92: {  	_ =	swait.ge [sflag:s30], $0x2000  }
0x93: {  	[sflag:s30] =	ssyncset.done $0x0  }
0x94: {  	s20 =	sadd.s32 $0x5700, s18;
	[sflag:s30] =	ssyncadd.s32 $0xFFFFE000  }
0x95: {  	[spmem:s2] =	stream.indirect.scatter.add.f32 [tilespmem:s19], [sflag:$0x5], $0x40, s20, s16, $0xb8;
	[tilespmem:$0x1C800] =	vst v63  }
0x96: {  	_ =	swait.ge [sflag:s23], $0x2000  }
0x97: {  	[sflag:s23] =	ssyncset.done $0x0  }
.Ltmp1:
0x98: {  	s20 =	sadd.s32 $0x500, s18;
	[sflag:s23] =	ssyncadd.s32 $0xFFFFE000;
	(pc) =	sbr.rel @p0 .LBB2_4-.Ltmp1, $4  }
0x99: {  	[tilespmem:s19], [sflag:$0x3] =	stream.indirect.gather [hbm4b:s4+s16], $0x40, s20, s16, $0xb8;
	[tilespmem:$0x1C800] =	vst v63  }
0x9a: {  	_ =	swait.ge [sflag:s1], $0x2000  }
0x9b: {  	[sflag:s1] =	ssyncset.done $0x0  }
0x9c: {  	s18 =	sadd.s32 $0x5780, s18;
	[sflag:s1] =	ssyncadd.s32 $0xFFFFE000  }
0x9d: {  	[spmem:s2] =	stream.indirect.scatter.add.f32 [tilespmem:s21], [sflag:$0x5], $0x40, s18, s16, $0xb8;
	[tilespmem:$0x1C800] =	vst v63  }
0x9e: {  	_ =	swait.ge [sflag:s23], $0x2000  }
0x9f: {  	[sflag:s23] =	ssyncset.done $0x0  }
0xa0: {  	s0 =	simm.s32 $0x5380;
	[sflag:s23] =	ssyncadd.s32 $0xFFFFE000  }
0xa1: {  	[tilespmem:s21], [sflag:$0x4] =	stream.indirect.gather [hbm4b:s4+s16], $0x40, s0, s16, $0xb8;
	[tilespmem:$0x1C800] =	vst v63  }
0xa2: {  	_ =	swait.ge [sflag:s22], $0x2000  }
0xa3: {  	[sflag:s22] =	ssyncset.done $0x0  }
0xa4: {  	[sflag:s22] =	ssyncadd.s32 $0xFFFFE000  }
0xa5: {  	[spmem:s2] =	stream.indirect.scatter.add.f32 [tilespmem:s12], [sflag:$0x5], $0x40, s25, s16, $0xb8;
	[tilespmem:$0x1C800] =	vst v63  }
0xa6: {  	_ =	swait.ge [sflag:s23], $0x2000  }
0xa7: {  	[sflag:s23] =	ssyncset.done $0x0  }
0xa8: {  	[sflag:s23] =	ssyncadd.s32 $0xFFFFE000  }
0xa9: {  	_ =	swait.ge [sflag:s26], $0x2000  }
0xaa: {  	[sflag:s26] =	ssyncset.done $0x0  }
0xab: {  	[sflag:s26] =	ssyncadd.s32 $0xFFFFE000  }
0xac: {  	[spmem:s2] =	stream.indirect.scatter.add.f32 [tilespmem:s17], [sflag:$0x5], $0x40, s28, s16, $0xb8;
	[tilespmem:$0x1C800] =	vst v63  }
0xad: {  	_ =	swait.ge [sflag:s23], $0x2000  }
0xae: {  	[sflag:s23] =	ssyncset.done $0x0  }
0xaf: {  	[sflag:s23] =	ssyncadd.s32 $0xFFFFE000  }
0xb0: {  	_ =	swait.ge [sflag:s30], $0x2000  }
0xb1: {  	[sflag:s30] =	ssyncset.done $0x0  }
0xb2: {  	[sflag:s30] =	ssyncadd.s32 $0xFFFFE000  }
0xb3: {  	[spmem:s2] =	stream.indirect.scatter.add.f32 [tilespmem:s19], [sflag:$0x5], $0x40, s29, s16, $0xb8;
	[tilespmem:$0x1C800] =	vst v63  }
0xb4: {  	_ =	swait.ge [sflag:s23], $0x2000  }
0xb5: {  	[sflag:s23] =	ssyncset.done $0x0  }
0xb6: {  	[sflag:s23] =	ssyncadd.s32 $0xFFFFE000  }
0xb7: {  	_ =	swait.ge [sflag:s1], $0x2000  }
0xb8: {  	[sflag:s1] =	ssyncset.done $0x0  }
0xb9: {  	[sflag:s1] =	ssyncadd.s32 $0xFFFFE000  }
0xba: {  	[spmem:s2] =	stream.indirect.scatter.add.f32 [tilespmem:s21], [sflag:$0x5], $0x40, s31, s16, $0xb8;
	[tilespmem:$0x1C800] =	vst v63  }
0xbb: {  	s18 =	stileid.u32;
	_ =	swait.ge [sflag:s23], $0x2000  }
0xbc: {  	s20 =	sshrl.u32 s5, $0x3;
	s3 =	sadd.s32 $0x1, s3;
	[sflag:s23] =	ssyncset.done $0x0  }
0xbd: {  	p0 =	sne.s32 s3, s11;
	s0 =	sshll.u32 s18, $0x6;
	[sflag:s23] =	ssyncadd.s32 $0xFFFFE000  }
.Ltmp2:
0xbe: {  	s0 =	sor.u32 $0x1C06, s0;
	[bflag:$0x0] =	sbarrier.arrive $0xFFFF;
	(pc) =	sbr.rel @p0 .LBB2_1-.Ltmp2, $4  }
0xbf: {  	[hbm:s24], [sflag:s0] =	dma.local [spmem:s20], $0x1400  }
0xc0: {  	_ =	swait.ge [sflag:s13], $0x1400  }
0xc1: {  	[sflag:s13] =	ssyncset.done $0x0  }
0xc2: {  	[sflag:s13] =	ssyncadd.s32 $0xFFFFEC00  }
0xc3: {  	_ =	sfence.sel $0x180000  }
0xc4: {  	[bflag:$0x0] =	sbarrier.arrive $0xFFFF  }
0xc5: {  	_ =	strace $0x9000004A  }
0xc6: {  	s0 =	stileid.u32;
	[bflag:$0x2] =	sbarrier.arrive $0xFFFF  }
0xc7: {  	p0 =	sne.s32 s0, $0x0;
	s0 =	rddreg [dreg:$0x3]  }
0xc8: {  	s0 =	sadd.s32 @!p0 $0x100000, s0  }
0xc9: {  	[sflag:s0] =	ssyncadd.tile.s32 @!p0 $0x1;
	_ =	shalt  }
.Lfunc_end2:
_tile_overlayer_lowered:
.L_overlay_start_2:
0xca: {  	(tag) =	ssettag $0x2  }
0xcb: {  	s0 =	rddreg [dreg:$0x0];
	s2 =	stileid.u32  }
0xcc: {  	s1 =	rddreg [dreg:$0x1];
	p0 =	sne.s32 s2, $0x0  }
0xcd: {  	s3 =	rddreg [dreg:$0x2];
	[bflag:$0x3] =	sbarrier.arrive $0xFFFF;
	s2 =	simm.s32 @!p0 $0x1C06  }
0xce: {  	[timem:s3], [sflag:s2] =	dma.local @!p0 [hbm:s0], s1  }
0xcf: {  	s0 =	simm.s32 @!p0 $0x6  }
0xd0: {  	_ =	swait.ge @!p0 [sflag:s0], s1  }
0xd1: {  	s1 =	ssub.s32 @!p0 $0x0, s1;
	[sflag:s0] =	ssyncset.done @!p0 $0x0  }
0xd2: {  	[sflag:s0] =	ssyncadd.s32 @!p0 s1  }
0xd3: {  	[bflag:$0x3] =	sbarrier.arrive $0xFFFF  }
0xd4: {  	_ =	shalt  }

</sc_bundles>
